<compile_context>
chip_gen: v7x
topology: tpu7x:2x2x1
jax: 0.10.2.dev20260603
libtpu: 0.0.44.dev20260713+nightly
codegen_flags: <defaults>
</compile_context>

<pallas_src>
import functools

import jax
import jax.numpy as jnp
from jax import lax
from jax.experimental import pallas as pl
from jax.experimental.pallas import tpu as pltpu
from jax.experimental.pallas import tpu_sc as plsc

B = 16384
D = 32
NLAB = 5
LANES = 16
NC = 2
NS = 16
NW = NC * NS
BPW = B // NW
DIV = 8
WIN = BPW // DIV
PAD = BPW - WIN
NGROUP = BPW // LANES

_MESH = plsc.VectorSubcoreMesh(core_axis_name="c", subcore_axis_name="s")


def _body(uid_hbm, iid_hbm, uemb_hbm, iemb_hbm, ibias_hbm, ubeta_hbm,
          out_hbm, uid_v, iid_v, ue_v, ie_v, ib_v, ub_v, out_v, sem):
    wid = lax.axis_index("s") * NC + lax.axis_index("c")

    pltpu.sync_copy(uid_hbm.at[wid], uid_v)
    pltpu.sync_copy(iid_hbm.at[wid], iid_v)

    copies = []
    for k in range(DIV):
        isl = pl.ds(k * WIN, BPW)
        copies.append(pltpu.async_copy(
            uemb_hbm.at[uid_v.at[isl]], ue_v.at[isl], sem))
        copies.append(pltpu.async_copy(
            iemb_hbm.at[iid_v.at[isl]], ie_v.at[isl], sem))
        copies.append(pltpu.async_copy(
            ibias_hbm.at[iid_v.at[isl]], ib_v.at[isl], sem))
        copies.append(pltpu.async_copy(
            ubeta_hbm.at[uid_v.at[isl]], ub_v.at[isl], sem))
    for c in copies:
        c.wait()

    iota16 = lax.iota(jnp.int32, LANES)

    def group(g, carry):
        rows = g * LANES + iota16
        acc = plsc.load_gather(ib_v, [rows, jnp.zeros((LANES,), jnp.int32)])
        for d in range(D):
            cols = jnp.full((LANES,), d, jnp.int32)
            u = plsc.load_gather(ue_v, [rows, cols])
            it = plsc.load_gather(ie_v, [rows, cols])
            acc = acc + u * it
        cum = plsc.load_gather(ub_v, [rows, jnp.zeros((LANES,), jnp.int32)])
        uds = [1.0 / (1.0 + jnp.exp(acc - cum))]
        for j in range(1, NLAB - 1):
            bj = plsc.load_gather(ub_v, [rows, jnp.full((LANES,), j, jnp.int32)])
            cum = cum + jnp.exp(bj)
            uds.append(1.0 / (1.0 + jnp.exp(acc - cum)))
        outs = [uds[0]]
        for j in range(1, NLAB - 1):
            outs.append(uds[j] - uds[j - 1])
        outs.append(1.0 - uds[NLAB - 2])
        for j in range(NLAB):
            plsc.store_scatter(out_v, [rows, jnp.full((LANES,), j, jnp.int32)],
                               outs[j])
        return carry

    lax.fori_loop(0, NGROUP, group, 0)
    pltpu.sync_copy(out_v, out_hbm.at[wid])


@functools.partial(jax.jit, static_argnums=())
def kernel(user_ids, item_ids, user_emb, item_emb, item_bias, user_betas):
    pad = jnp.zeros((NW, PAD), jnp.int32)
    uid_r = jnp.concatenate([user_ids.reshape(NW, BPW), pad], axis=1)
    iid_r = jnp.concatenate([item_ids.reshape(NW, BPW), pad], axis=1)

    def _lin(x):
        return lax.optimization_barrier(x.reshape(-1)).reshape(x.shape)

    user_emb = _lin(user_emb)
    item_emb = _lin(item_emb)
    item_bias = _lin(item_bias)
    user_betas = _lin(user_betas)

    k = pl.kernel(
        _body,
        out_type=jax.ShapeDtypeStruct((NW, BPW, NLAB), jnp.float32),
        mesh=_MESH,
        compiler_params=pltpu.CompilerParams(
            needs_layout_passes=False, use_tc_tiling_on_sc=False,
            skip_device_barrier=True),
        scratch_types=[
            pltpu.VMEM((BPW + PAD,), jnp.int32),
            pltpu.VMEM((BPW + PAD,), jnp.int32),
            pltpu.VMEM((BPW + PAD, D), jnp.float32),
            pltpu.VMEM((BPW + PAD, D), jnp.float32),
            pltpu.VMEM((BPW + PAD, 1), jnp.float32),
            pltpu.VMEM((BPW + PAD, NLAB - 1), jnp.float32),
            pltpu.VMEM((BPW, NLAB), jnp.float32),
            pltpu.SemaphoreType.DMA,
        ],
    )
    out = k(uid_r, iid_r, user_emb, item_emb, item_bias, user_betas)
    return out.reshape(B, NLAB)

# --- scband reference (transcript-rebuilt; emitter-appended) ---
"""Pipeline reference for scband-ord-rec-net-25494925869542 (READ-ONLY COPY).

The authoritative reference and input builder live on the scoring server;
editing this copy changes nothing except your own understanding.
"""

import jax, jax.numpy as jnp
import numpy as np

NUM_USERS = 1000000
NUM_ITEMS = 1000000
NUM_LABELS = 5
EMB_DIM = 32
BATCH = 16384


def setup_inputs(seed: int = 0) -> dict:
    key = jax.random.key(seed)
    k1, k2, k3, k4 = jax.random.split(key, 4)
    user_ids = jax.random.randint(k1, (BATCH,), 0, NUM_USERS, dtype=jnp.int32)
    item_ids = jax.random.randint(k2, (BATCH,), 0, NUM_ITEMS, dtype=jnp.int32)
    # learned parameters, matching torch init
    user_emb = jax.random.uniform(k3, (NUM_USERS, EMB_DIM), minval=-0.01, maxval=0.01, dtype=jnp.float32)
    item_emb = jax.random.uniform(k4, (NUM_ITEMS, EMB_DIM), minval=-0.01, maxval=0.01, dtype=jnp.float32)
    item_bias = jnp.zeros((NUM_ITEMS, 1), dtype=jnp.float32)
    user_betas = jnp.zeros((NUM_USERS, NUM_LABELS - 1), dtype=jnp.float32)
    return {
        "user_ids": user_ids,
        "item_ids": item_ids,
        "user_emb": user_emb,
        "item_emb": item_emb,
        "item_bias": item_bias,
        "user_betas": user_betas,
    }


def reference(user_ids, item_ids, user_emb, item_emb, item_bias, user_betas):
    # embedding lookups (gather)
    ue = jnp.take(user_emb, user_ids, axis=0)          # [B, D]
    ie = jnp.take(item_emb, item_ids, axis=0)          # [B, D]
    ib = jnp.take(item_bias, item_ids, axis=0)[:, 0]   # [B]
    y = ((ue * ie).sum(axis=1) + ib).reshape(-1, 1)    # [B, 1]

    ub = jnp.take(user_betas, user_ids, axis=0)        # [B, L-1]
    # user_beta[:, 1:] = exp(user_beta[:, 1:])
    ub = jnp.concatenate([ub[:, :1], jnp.exp(ub[:, 1:])], axis=1)
    # 1 / (1 + exp(y - cumsum(beta)))
    ud = 1.0 / (1.0 + jnp.exp(y - jnp.cumsum(ub, axis=1)))  # [B, L-1]
    ones = jnp.ones((ud.shape[0], 1), dtype=ud.dtype)
    ud = jnp.concatenate([ud, ones], axis=1)           # [B, L]
    # ud[:, 1:] -= ud[:, :-1]
    ud = jnp.concatenate([ud[:, :1], ud[:, 1:] - ud[:, :-1]], axis=1)
    return ud

if __name__ == "__main__":
    import jax
    _d = setup_inputs()
    print(jax.jit(kernel)(*tuple(_d.values())))

</pallas_src>

<mosaic_0001>
#map = affine_map<(d0, d1) -> (0, 0)>
#map1 = affine_map<(d0, d1) -> (0, 0, 0)>
module attributes {stable_mosaic.version = 14 : i64} {
  func.func @_body(%arg0: i32, %arg1: i32, %arg2: memref<32x960xi32, #tpu.memory_space<hbm>>, %arg3: memref<32x960xi32, #tpu.memory_space<hbm>>, %arg4: memref<1000000x32xf32, #tpu.memory_space<hbm>>, %arg5: memref<1000000x32xf32, #tpu.memory_space<hbm>>, %arg6: memref<1000000x1xf32, #tpu.memory_space<hbm>>, %arg7: memref<1000000x4xf32, #tpu.memory_space<hbm>>, %arg8: memref<32x512x5xf32, #tpu.memory_space<hbm>>, %arg9: memref<960xi32, #tpu.memory_space<vmem>>, %arg10: memref<960xi32, #tpu.memory_space<vmem>>, %arg11: memref<960x32xf32, #tpu.memory_space<vmem>>, %arg12: memref<960x32xf32, #tpu.memory_space<vmem>>, %arg13: memref<960x1xf32, #tpu.memory_space<vmem>>, %arg14: memref<960x4xf32, #tpu.memory_space<vmem>>, %arg15: memref<512x5xf32, #tpu.memory_space<vmem>>, %arg16: memref<!tpu.dma_semaphore, #tpu.memory_space<semaphore_mem>>) attributes {dimension_semantics = [#tpu.dimension_semantics<core_parallel>, #tpu.dimension_semantics<subcore_parallel>], iteration_bounds = array<i64: 2, 16>, scalar_prefetch = 0 : i64, scratch_operands = 8 : i64, tpu.core_type = #tpu.core_type<sc_vector_subcore>, window_params = [{transform_indices = #map}, {transform_indices = #map}, {transform_indices = #map}, {transform_indices = #map}, {transform_indices = #map}, {transform_indices = #map}, {transform_indices = #map1}]} {
    %mul3A = arith.constant 2 : i32
    %mul3A_0 = arith.muli %arg1, %mul3A : i32
    %add3A = arith.addi %mul3A_0, %arg0 : i32
    "tpu.region"() ({
      %run_scoped3A = tpu.sem_alloc : memref<!tpu.dma_semaphore, #tpu.memory_space<semaphore_mem>>
      %dma_start3A_516 = arith.constant 0 : i32
      %dma_start3A_517 = tpu.memref_slice %arg2[%add3A, %dma_start3A_516] : memref<32x960xi32, #tpu.memory_space<hbm>> -> memref<1x960xi32, #tpu.memory_space<hbm>>
      %dma_start3A_518 = tpu.memref_squeeze %dma_start3A_517 : memref<1x960xi32, #tpu.memory_space<hbm>> -> memref<960xi32, #tpu.memory_space<hbm>>
      %dma_start3A_519 = arith.constant 0 : i32
      %dma_start3A_520 = tpu.memref_slice %arg2[%add3A, %dma_start3A_519] : memref<32x960xi32, #tpu.memory_space<hbm>> -> memref<1x960xi32, #tpu.memory_space<hbm>>
      %dma_start3A_521 = tpu.memref_squeeze %dma_start3A_520 : memref<1x960xi32, #tpu.memory_space<hbm>> -> memref<960xi32, #tpu.memory_space<hbm>>
      tpu.enqueue_dma source(%dma_start3A_521 : memref<960xi32, #tpu.memory_space<hbm>>) target(%arg9 : memref<960xi32, #tpu.memory_space<vmem>>) target_semaphore(%run_scoped3A : memref<!tpu.dma_semaphore, #tpu.memory_space<semaphore_mem>>)
      %dma_wait3A_522 = arith.constant 0 : i32
      %dma_wait3A_523 = tpu.memref_slice %arg2[%add3A, %dma_wait3A_522] : memref<32x960xi32, #tpu.memory_space<hbm>> -> memref<1x960xi32, #tpu.memory_space<hbm>>
      %dma_wait3A_524 = tpu.memref_squeeze %dma_wait3A_523 : memref<1x960xi32, #tpu.memory_space<hbm>> -> memref<960xi32, #tpu.memory_space<hbm>>
      %dma_wait3A_525 = arith.constant 0 : i32
      %dma_wait3A_526 = tpu.memref_slice %arg2[%add3A, %dma_wait3A_525] : memref<32x960xi32, #tpu.memory_space<hbm>> -> memref<1x960xi32, #tpu.memory_space<hbm>>
      %dma_wait3A_527 = tpu.memref_squeeze %dma_wait3A_526 : memref<1x960xi32, #tpu.memory_space<hbm>> -> memref<960xi32, #tpu.memory_space<hbm>>
      tpu.wait_dma2 semaphore(%run_scoped3A : memref<!tpu.dma_semaphore, #tpu.memory_space<semaphore_mem>>) src(%dma_wait3A_527 : memref<960xi32, #tpu.memory_space<hbm>>) dst(%arg9 : memref<960xi32, #tpu.memory_space<vmem>>)
      tpu.yield
    }) : () -> ()
    "tpu.region"() ({
      %run_scoped3A = tpu.sem_alloc : memref<!tpu.dma_semaphore, #tpu.memory_space<semaphore_mem>>
      %dma_start3A_516 = arith.constant 0 : i32
      %dma_start3A_517 = tpu.memref_slice %arg3[%add3A, %dma_start3A_516] : memref<32x960xi32, #tpu.memory_space<hbm>> -> memref<1x960xi32, #tpu.memory_space<hbm>>
      %dma_start3A_518 = tpu.memref_squeeze %dma_start3A_517 : memref<1x960xi32, #tpu.memory_space<hbm>> -> memref<960xi32, #tpu.memory_space<hbm>>
      %dma_start3A_519 = arith.constant 0 : i32
      %dma_start3A_520 = tpu.memref_slice %arg3[%add3A, %dma_start3A_519] : memref<32x960xi32, #tpu.memory_space<hbm>> -> memref<1x960xi32, #tpu.memory_space<hbm>>
      %dma_start3A_521 = tpu.memref_squeeze %dma_start3A_520 : memref<1x960xi32, #tpu.memory_space<hbm>> -> memref<960xi32, #tpu.memory_space<hbm>>
      tpu.enqueue_dma source(%dma_start3A_521 : memref<960xi32, #tpu.memory_space<hbm>>) target(%arg10 : memref<960xi32, #tpu.memory_space<vmem>>) target_semaphore(%run_scoped3A : memref<!tpu.dma_semaphore, #tpu.memory_space<semaphore_mem>>)
      %dma_wait3A_522 = arith.constant 0 : i32
      %dma_wait3A_523 = tpu.memref_slice %arg3[%add3A, %dma_wait3A_522] : memref<32x960xi32, #tpu.memory_space<hbm>> -> memref<1x960xi32, #tpu.memory_space<hbm>>
      %dma_wait3A_524 = tpu.memref_squeeze %dma_wait3A_523 : memref<1x960xi32, #tpu.memory_space<hbm>> -> memref<960xi32, #tpu.memory_space<hbm>>
      %dma_wait3A_525 = arith.constant 0 : i32
      %dma_wait3A_526 = tpu.memref_slice %arg3[%add3A, %dma_wait3A_525] : memref<32x960xi32, #tpu.memory_space<hbm>> -> memref<1x960xi32, #tpu.memory_space<hbm>>
      %dma_wait3A_527 = tpu.memref_squeeze %dma_wait3A_526 : memref<1x960xi32, #tpu.memory_space<hbm>> -> memref<960xi32, #tpu.memory_space<hbm>>
      tpu.wait_dma2 semaphore(%run_scoped3A : memref<!tpu.dma_semaphore, #tpu.memory_space<semaphore_mem>>) src(%dma_wait3A_527 : memref<960xi32, #tpu.memory_space<hbm>>) dst(%arg10 : memref<960xi32, #tpu.memory_space<vmem>>)
      tpu.yield
    }) : () -> ()
    %dma_start3A = arith.constant 0 : i32
    %dma_start3A_1 = arith.constant 0 : i32
    %dma_start3A_2 = tpu.memref_slice %arg11[%dma_start3A, %dma_start3A_1] : memref<960x32xf32, #tpu.memory_space<vmem>> -> memref<512x32xf32, #tpu.memory_space<vmem>>
    %dma_start3A_3 = arith.constant 0 : i32
    %dma_start3A_4 = tpu.memref_slice %arg9[%dma_start3A_3] : memref<960xi32, #tpu.memory_space<vmem>> -> memref<512xi32, #tpu.memory_space<vmem>>
    %dma_start3A_5 = arith.constant 0 : i32
    %dma_start3A_6 = arith.constant 0 : i32
    %dma_start3A_7 = tpu.memref_slice %arg4[%dma_start3A_5, %dma_start3A_6] : memref<1000000x32xf32, #tpu.memory_space<hbm>> -> memref<1000000x32xf32, #tpu.memory_space<hbm>>
    tpu.enqueue_indirect_dma source(%dma_start3A_7 : memref<1000000x32xf32, #tpu.memory_space<hbm>>) target(%dma_start3A_2 : memref<512x32xf32, #tpu.memory_space<vmem>>) offsets(%dma_start3A_4 : memref<512xi32, #tpu.memory_space<vmem>>) semaphore(%arg16 : memref<!tpu.dma_semaphore, #tpu.memory_space<semaphore_mem>>)
    %dma_start3A_8 = arith.constant 0 : i32
    %dma_start3A_9 = arith.constant 0 : i32
    %dma_start3A_10 = tpu.memref_slice %arg12[%dma_start3A_8, %dma_start3A_9] : memref<960x32xf32, #tpu.memory_space<vmem>> -> memref<512x32xf32, #tpu.memory_space<vmem>>
    %dma_start3A_11 = arith.constant 0 : i32
    %dma_start3A_12 = tpu.memref_slice %arg10[%dma_start3A_11] : memref<960xi32, #tpu.memory_space<vmem>> -> memref<512xi32, #tpu.memory_space<vmem>>
    %dma_start3A_13 = arith.constant 0 : i32
    %dma_start3A_14 = arith.constant 0 : i32
    %dma_start3A_15 = tpu.memref_slice %arg5[%dma_start3A_13, %dma_start3A_14] : memref<1000000x32xf32, #tpu.memory_space<hbm>> -> memref<1000000x32xf32, #tpu.memory_space<hbm>>
    tpu.enqueue_indirect_dma source(%dma_start3A_15 : memref<1000000x32xf32, #tpu.memory_space<hbm>>) target(%dma_start3A_10 : memref<512x32xf32, #tpu.memory_space<vmem>>) offsets(%dma_start3A_12 : memref<512xi32, #tpu.memory_space<vmem>>) semaphore(%arg16 : memref<!tpu.dma_semaphore, #tpu.memory_space<semaphore_mem>>)
    %dma_start3A_16 = arith.constant 0 : i32
    %dma_start3A_17 = arith.constant 0 : i32
    %dma_start3A_18 = tpu.memref_slice %arg13[%dma_start3A_16, %dma_start3A_17] : memref<960x1xf32, #tpu.memory_space<vmem>> -> memref<512x1xf32, #tpu.memory_space<vmem>>
    %dma_start3A_19 = arith.constant 0 : i32
    %dma_start3A_20 = tpu.memref_slice %arg10[%dma_start3A_19] : memref<960xi32, #tpu.memory_space<vmem>> -> memref<512xi32, #tpu.memory_space<vmem>>
    %dma_start3A_21 = arith.constant 0 : i32
    %dma_start3A_22 = arith.constant 0 : i32
    %dma_start3A_23 = tpu.memref_slice %arg6[%dma_start3A_21, %dma_start3A_22] : memref<1000000x1xf32, #tpu.memory_space<hbm>> -> memref<1000000x1xf32, #tpu.memory_space<hbm>>
    tpu.enqueue_indirect_dma source(%dma_start3A_23 : memref<1000000x1xf32, #tpu.memory_space<hbm>>) target(%dma_start3A_18 : memref<512x1xf32, #tpu.memory_space<vmem>>) offsets(%dma_start3A_20 : memref<512xi32, #tpu.memory_space<vmem>>) semaphore(%arg16 : memref<!tpu.dma_semaphore, #tpu.memory_space<semaphore_mem>>)
    %dma_start3A_24 = arith.constant 0 : i32
    %dma_start3A_25 = arith.constant 0 : i32
    %dma_start3A_26 = tpu.memref_slice %arg14[%dma_start3A_24, %dma_start3A_25] : memref<960x4xf32, #tpu.memory_space<vmem>> -> memref<512x4xf32, #tpu.memory_space<vmem>>
    %dma_start3A_27 = arith.constant 0 : i32
    %dma_start3A_28 = tpu.memref_slice %arg9[%dma_start3A_27] : memref<960xi32, #tpu.memory_space<vmem>> -> memref<512xi32, #tpu.memory_space<vmem>>
    %dma_start3A_29 = arith.constant 0 : i32
    %dma_start3A_30 = arith.constant 0 : i32
    %dma_start3A_31 = tpu.memref_slice %arg7[%dma_start3A_29, %dma_start3A_30] : memref<1000000x4xf32, #tpu.memory_space<hbm>> -> memref<1000000x4xf32, #tpu.memory_space<hbm>>
    tpu.enqueue_indirect_dma source(%dma_start3A_31 : memref<1000000x4xf32, #tpu.memory_space<hbm>>) target(%dma_start3A_26 : memref<512x4xf32, #tpu.memory_space<vmem>>) offsets(%dma_start3A_28 : memref<512xi32, #tpu.memory_space<vmem>>) semaphore(%arg16 : memref<!tpu.dma_semaphore, #tpu.memory_space<semaphore_mem>>)
    %dma_start3A_32 = arith.constant 64 : i32
    %dma_start3A_33 = arith.constant 0 : i32
    %dma_start3A_34 = tpu.memref_slice %arg11[%dma_start3A_32, %dma_start3A_33] : memref<960x32xf32, #tpu.memory_space<vmem>> -> memref<512x32xf32, #tpu.memory_space<vmem>>
    %dma_start3A_35 = arith.constant 64 : i32
    %dma_start3A_36 = tpu.memref_slice %arg9[%dma_start3A_35] : memref<960xi32, #tpu.memory_space<vmem>> -> memref<512xi32, #tpu.memory_space<vmem>>
    %dma_start3A_37 = arith.constant 0 : i32
    %dma_start3A_38 = arith.constant 0 : i32
    %dma_start3A_39 = tpu.memref_slice %arg4[%dma_start3A_37, %dma_start3A_38] : memref<1000000x32xf32, #tpu.memory_space<hbm>> -> memref<1000000x32xf32, #tpu.memory_space<hbm>>
    tpu.enqueue_indirect_dma source(%dma_start3A_39 : memref<1000000x32xf32, #tpu.memory_space<hbm>>) target(%dma_start3A_34 : memref<512x32xf32, #tpu.memory_space<vmem>>) offsets(%dma_start3A_36 : memref<512xi32, #tpu.memory_space<vmem>>) semaphore(%arg16 : memref<!tpu.dma_semaphore, #tpu.memory_space<semaphore_mem>>)
    %dma_start3A_40 = arith.constant 64 : i32
    %dma_start3A_41 = arith.constant 0 : i32
    %dma_start3A_42 = tpu.memref_slice %arg12[%dma_start3A_40, %dma_start3A_41] : memref<960x32xf32, #tpu.memory_space<vmem>> -> memref<512x32xf32, #tpu.memory_space<vmem>>
    %dma_start3A_43 = arith.constant 64 : i32
    %dma_start3A_44 = tpu.memref_slice %arg10[%dma_start3A_43] : memref<960xi32, #tpu.memory_space<vmem>> -> memref<512xi32, #tpu.memory_space<vmem>>
    %dma_start3A_45 = arith.constant 0 : i32
    %dma_start3A_46 = arith.constant 0 : i32
    %dma_start3A_47 = tpu.memref_slice %arg5[%dma_start3A_45, %dma_start3A_46] : memref<1000000x32xf32, #tpu.memory_space<hbm>> -> memref<1000000x32xf32, #tpu.memory_space<hbm>>
    tpu.enqueue_indirect_dma source(%dma_start3A_47 : memref<1000000x32xf32, #tpu.memory_space<hbm>>) target(%dma_start3A_42 : memref<512x32xf32, #tpu.memory_space<vmem>>) offsets(%dma_start3A_44 : memref<512xi32, #tpu.memory_space<vmem>>) semaphore(%arg16 : memref<!tpu.dma_semaphore, #tpu.memory_space<semaphore_mem>>)
    %dma_start3A_48 = arith.constant 64 : i32
    %dma_start3A_49 = arith.constant 0 : i32
    %dma_start3A_50 = tpu.memref_slice %arg13[%dma_start3A_48, %dma_start3A_49] : memref<960x1xf32, #tpu.memory_space<vmem>> -> memref<512x1xf32, #tpu.memory_space<vmem>>
    %dma_start3A_51 = arith.constant 64 : i32
    %dma_start3A_52 = tpu.memref_slice %arg10[%dma_start3A_51] : memref<960xi32, #tpu.memory_space<vmem>> -> memref<512xi32, #tpu.memory_space<vmem>>
    %dma_start3A_53 = arith.constant 0 : i32
    %dma_start3A_54 = arith.constant 0 : i32
    %dma_start3A_55 = tpu.memref_slice %arg6[%dma_start3A_53, %dma_start3A_54] : memref<1000000x1xf32, #tpu.memory_space<hbm>> -> memref<1000000x1xf32, #tpu.memory_space<hbm>>
    tpu.enqueue_indirect_dma source(%dma_start3A_55 : memref<1000000x1xf32, #tpu.memory_space<hbm>>) target(%dma_start3A_50 : memref<512x1xf32, #tpu.memory_space<vmem>>) offsets(%dma_start3A_52 : memref<512xi32, #tpu.memory_space<vmem>>) semaphore(%arg16 : memref<!tpu.dma_semaphore, #tpu.memory_space<semaphore_mem>>)
    %dma_start3A_56 = arith.constant 64 : i32
    %dma_start3A_57 = arith.constant 0 : i32
    %dma_start3A_58 = tpu.memref_slice %arg14[%dma_start3A_56, %dma_start3A_57] : memref<960x4xf32, #tpu.memory_space<vmem>> -> memref<512x4xf32, #tpu.memory_space<vmem>>
    %dma_start3A_59 = arith.constant 64 : i32
    %dma_start3A_60 = tpu.memref_slice %arg9[%dma_start3A_59] : memref<960xi32, #tpu.memory_space<vmem>> -> memref<512xi32, #tpu.memory_space<vmem>>
    %dma_start3A_61 = arith.constant 0 : i32
    %dma_start3A_62 = arith.constant 0 : i32
    %dma_start3A_63 = tpu.memref_slice %arg7[%dma_start3A_61, %dma_start3A_62] : memref<1000000x4xf32, #tpu.memory_space<hbm>> -> memref<1000000x4xf32, #tpu.memory_space<hbm>>
    tpu.enqueue_indirect_dma source(%dma_start3A_63 : memref<1000000x4xf32, #tpu.memory_space<hbm>>) target(%dma_start3A_58 : memref<512x4xf32, #tpu.memory_space<vmem>>) offsets(%dma_start3A_60 : memref<512xi32, #tpu.memory_space<vmem>>) semaphore(%arg16 : memref<!tpu.dma_semaphore, #tpu.memory_space<semaphore_mem>>)
    %dma_start3A_64 = arith.constant 128 : i32
    %dma_start3A_65 = arith.constant 0 : i32
    %dma_start3A_66 = tpu.memref_slice %arg11[%dma_start3A_64, %dma_start3A_65] : memref<960x32xf32, #tpu.memory_space<vmem>> -> memref<512x32xf32, #tpu.memory_space<vmem>>
    %dma_start3A_67 = arith.constant 128 : i32
    %dma_start3A_68 = tpu.memref_slice %arg9[%dma_start3A_67] : memref<960xi32, #tpu.memory_space<vmem>> -> memref<512xi32, #tpu.memory_space<vmem>>
    %dma_start3A_69 = arith.constant 0 : i32
    %dma_start3A_70 = arith.constant 0 : i32
    %dma_start3A_71 = tpu.memref_slice %arg4[%dma_start3A_69, %dma_start3A_70] : memref<1000000x32xf32, #tpu.memory_space<hbm>> -> memref<1000000x32xf32, #tpu.memory_space<hbm>>
    tpu.enqueue_indirect_dma source(%dma_start3A_71 : memref<1000000x32xf32, #tpu.memory_space<hbm>>) target(%dma_start3A_66 : memref<512x32xf32, #tpu.memory_space<vmem>>) offsets(%dma_start3A_68 : memref<512xi32, #tpu.memory_space<vmem>>) semaphore(%arg16 : memref<!tpu.dma_semaphore, #tpu.memory_space<semaphore_mem>>)
    %dma_start3A_72 = arith.constant 128 : i32
    %dma_start3A_73 = arith.constant 0 : i32
    %dma_start3A_74 = tpu.memref_slice %arg12[%dma_start3A_72, %dma_start3A_73] : memref<960x32xf32, #tpu.memory_space<vmem>> -> memref<512x32xf32, #tpu.memory_space<vmem>>
    %dma_start3A_75 = arith.constant 128 : i32
    %dma_start3A_76 = tpu.memref_slice %arg10[%dma_start3A_75] : memref<960xi32, #tpu.memory_space<vmem>> -> memref<512xi32, #tpu.memory_space<vmem>>
    %dma_start3A_77 = arith.constant 0 : i32
    %dma_start3A_78 = arith.constant 0 : i32
    %dma_start3A_79 = tpu.memref_slice %arg5[%dma_start3A_77, %dma_start3A_78] : memref<1000000x32xf32, #tpu.memory_space<hbm>> -> memref<1000000x32xf32, #tpu.memory_space<hbm>>
    tpu.enqueue_indirect_dma source(%dma_start3A_79 : memref<1000000x32xf32, #tpu.memory_space<hbm>>) target(%dma_start3A_74 : memref<512x32xf32, #tpu.memory_space<vmem>>) offsets(%dma_start3A_76 : memref<512xi32, #tpu.memory_space<vmem>>) semaphore(%arg16 : memref<!tpu.dma_semaphore, #tpu.memory_space<semaphore_mem>>)
    %dma_start3A_80 = arith.constant 128 : i32
    %dma_start3A_81 = arith.constant 0 : i32
    %dma_start3A_82 = tpu.memref_slice %arg13[%dma_start3A_80, %dma_start3A_81] : memref<960x1xf32, #tpu.memory_space<vmem>> -> memref<512x1xf32, #tpu.memory_space<vmem>>
    %dma_start3A_83 = arith.constant 128 : i32
    %dma_start3A_84 = tpu.memref_slice %arg10[%dma_start3A_83] : memref<960xi32, #tpu.memory_space<vmem>> -> memref<512xi32, #tpu.memory_space<vmem>>
    %dma_start3A_85 = arith.constant 0 : i32
    %dma_start3A_86 = arith.constant 0 : i32
    %dma_start3A_87 = tpu.memref_slice %arg6[%dma_start3A_85, %dma_start3A_86] : memref<1000000x1xf32, #tpu.memory_space<hbm>> -> memref<1000000x1xf32, #tpu.memory_space<hbm>>
    tpu.enqueue_indirect_dma source(%dma_start3A_87 : memref<1000000x1xf32, #tpu.memory_space<hbm>>) target(%dma_start3A_82 : memref<512x1xf32, #tpu.memory_space<vmem>>) offsets(%dma_start3A_84 : memref<512xi32, #tpu.memory_space<vmem>>) semaphore(%arg16 : memref<!tpu.dma_semaphore, #tpu.memory_space<semaphore_mem>>)
    %dma_start3A_88 = arith.constant 128 : i32
    %dma_start3A_89 = arith.constant 0 : i32
    %dma_start3A_90 = tpu.memref_slice %arg14[%dma_start3A_88, %dma_start3A_89] : memref<960x4xf32, #tpu.memory_space<vmem>> -> memref<512x4xf32, #tpu.memory_space<vmem>>
    %dma_start3A_91 = arith.constant 128 : i32
    %dma_start3A_92 = tpu.memref_slice %arg9[%dma_start3A_91] : memref<960xi32, #tpu.memory_space<vmem>> -> memref<512xi32, #tpu.memory_space<vmem>>
    %dma_start3A_93 = arith.constant 0 : i32
    %dma_start3A_94 = arith.constant 0 : i32
    %dma_start3A_95 = tpu.memref_slice %arg7[%dma_start3A_93, %dma_start3A_94] : memref<1000000x4xf32, #tpu.memory_space<hbm>> -> memref<1000000x4xf32, #tpu.memory_space<hbm>>
    tpu.enqueue_indirect_dma source(%dma_start3A_95 : memref<1000000x4xf32, #tpu.memory_space<hbm>>) target(%dma_start3A_90 : memref<512x4xf32, #tpu.memory_space<vmem>>) offsets(%dma_start3A_92 : memref<512xi32, #tpu.memory_space<vmem>>) semaphore(%arg16 : memref<!tpu.dma_semaphore, #tpu.memory_space<semaphore_mem>>)
    %dma_start3A_96 = arith.constant 192 : i32
    %dma_start3A_97 = arith.constant 0 : i32
    %dma_start3A_98 = tpu.memref_slice %arg11[%dma_start3A_96, %dma_start3A_97] : memref<960x32xf32, #tpu.memory_space<vmem>> -> memref<512x32xf32, #tpu.memory_space<vmem>>
    %dma_start3A_99 = arith.constant 192 : i32
    %dma_start3A_100 = tpu.memref_slice %arg9[%dma_start3A_99] : memref<960xi32, #tpu.memory_space<vmem>> -> memref<512xi32, #tpu.memory_space<vmem>>
    %dma_start3A_101 = arith.constant 0 : i32
    %dma_start3A_102 = arith.constant 0 : i32
    %dma_start3A_103 = tpu.memref_slice %arg4[%dma_start3A_101, %dma_start3A_102] : memref<1000000x32xf32, #tpu.memory_space<hbm>> -> memref<1000000x32xf32, #tpu.memory_space<hbm>>
    tpu.enqueue_indirect_dma source(%dma_start3A_103 : memref<1000000x32xf32, #tpu.memory_space<hbm>>) target(%dma_start3A_98 : memref<512x32xf32, #tpu.memory_space<vmem>>) offsets(%dma_start3A_100 : memref<512xi32, #tpu.memory_space<vmem>>) semaphore(%arg16 : memref<!tpu.dma_semaphore, #tpu.memory_space<semaphore_mem>>)
    %dma_start3A_104 = arith.constant 192 : i32
    %dma_start3A_105 = arith.constant 0 : i32
    %dma_start3A_106 = tpu.memref_slice %arg12[%dma_start3A_104, %dma_start3A_105] : memref<960x32xf32, #tpu.memory_space<vmem>> -> memref<512x32xf32, #tpu.memory_space<vmem>>
    %dma_start3A_107 = arith.constant 192 : i32
    %dma_start3A_108 = tpu.memref_slice %arg10[%dma_start3A_107] : memref<960xi32, #tpu.memory_space<vmem>> -> memref<512xi32, #tpu.memory_space<vmem>>
    %dma_start3A_109 = arith.constant 0 : i32
    %dma_start3A_110 = arith.constant 0 : i32
    %dma_start3A_111 = tpu.memref_slice %arg5[%dma_start3A_109, %dma_start3A_110] : memref<1000000x32xf32, #tpu.memory_space<hbm>> -> memref<1000000x32xf32, #tpu.memory_space<hbm>>
    tpu.enqueue_indirect_dma source(%dma_start3A_111 : memref<1000000x32xf32, #tpu.memory_space<hbm>>) target(%dma_start3A_106 : memref<512x32xf32, #tpu.memory_space<vmem>>) offsets(%dma_start3A_108 : memref<512xi32, #tpu.memory_space<vmem>>) semaphore(%arg16 : memref<!tpu.dma_semaphore, #tpu.memory_space<semaphore_mem>>)
    %dma_start3A_112 = arith.constant 192 : i32
    %dma_start3A_113 = arith.constant 0 : i32
    %dma_start3A_114 = tpu.memref_slice %arg13[%dma_start3A_112, %dma_start3A_113] : memref<960x1xf32, #tpu.memory_space<vmem>> -> memref<512x1xf32, #tpu.memory_space<vmem>>
    %dma_start3A_115 = arith.constant 192 : i32
    %dma_start3A_116 = tpu.memref_slice %arg10[%dma_start3A_115] : memref<960xi32, #tpu.memory_space<vmem>> -> memref<512xi32, #tpu.memory_space<vmem>>
    %dma_start3A_117 = arith.constant 0 : i32
    %dma_start3A_118 = arith.constant 0 : i32
    %dma_start3A_119 = tpu.memref_slice %arg6[%dma_start3A_117, %dma_start3A_118] : memref<1000000x1xf32, #tpu.memory_space<hbm>> -> memref<1000000x1xf32, #tpu.memory_space<hbm>>
    tpu.enqueue_indirect_dma source(%dma_start3A_119 : memref<1000000x1xf32, #tpu.memory_space<hbm>>) target(%dma_start3A_114 : memref<512x1xf32, #tpu.memory_space<vmem>>) offsets(%dma_start3A_116 : memref<512xi32, #tpu.memory_space<vmem>>) semaphore(%arg16 : memref<!tpu.dma_semaphore, #tpu.memory_space<semaphore_mem>>)
    %dma_start3A_120 = arith.constant 192 : i32
    %dma_start3A_121 = arith.constant 0 : i32
    %dma_start3A_122 = tpu.memref_slice %arg14[%dma_start3A_120, %dma_start3A_121] : memref<960x4xf32, #tpu.memory_space<vmem>> -> memref<512x4xf32, #tpu.memory_space<vmem>>
    %dma_start3A_123 = arith.constant 192 : i32
    %dma_start3A_124 = tpu.memref_slice %arg9[%dma_start3A_123] : memref<960xi32, #tpu.memory_space<vmem>> -> memref<512xi32, #tpu.memory_space<vmem>>
    %dma_start3A_125 = arith.constant 0 : i32
    %dma_start3A_126 = arith.constant 0 : i32
    %dma_start3A_127 = tpu.memref_slice %arg7[%dma_start3A_125, %dma_start3A_126] : memref<1000000x4xf32, #tpu.memory_space<hbm>> -> memref<1000000x4xf32, #tpu.memory_space<hbm>>
    tpu.enqueue_indirect_dma source(%dma_start3A_127 : memref<1000000x4xf32, #tpu.memory_space<hbm>>) target(%dma_start3A_122 : memref<512x4xf32, #tpu.memory_space<vmem>>) offsets(%dma_start3A_124 : memref<512xi32, #tpu.memory_space<vmem>>) semaphore(%arg16 : memref<!tpu.dma_semaphore, #tpu.memory_space<semaphore_mem>>)
    %dma_start3A_128 = arith.constant 256 : i32
    %dma_start3A_129 = arith.constant 0 : i32
    %dma_start3A_130 = tpu.memref_slice %arg11[%dma_start3A_128, %dma_start3A_129] : memref<960x32xf32, #tpu.memory_space<vmem>> -> memref<512x32xf32, #tpu.memory_space<vmem>>
    %dma_start3A_131 = arith.constant 256 : i32
    %dma_start3A_132 = tpu.memref_slice %arg9[%dma_start3A_131] : memref<960xi32, #tpu.memory_space<vmem>> -> memref<512xi32, #tpu.memory_space<vmem>>
    %dma_start3A_133 = arith.constant 0 : i32
    %dma_start3A_134 = arith.constant 0 : i32
    %dma_start3A_135 = tpu.memref_slice %arg4[%dma_start3A_133, %dma_start3A_134] : memref<1000000x32xf32, #tpu.memory_space<hbm>> -> memref<1000000x32xf32, #tpu.memory_space<hbm>>
    tpu.enqueue_indirect_dma source(%dma_start3A_135 : memref<1000000x32xf32, #tpu.memory_space<hbm>>) target(%dma_start3A_130 : memref<512x32xf32, #tpu.memory_space<vmem>>) offsets(%dma_start3A_132 : memref<512xi32, #tpu.memory_space<vmem>>) semaphore(%arg16 : memref<!tpu.dma_semaphore, #tpu.memory_space<semaphore_mem>>)
    %dma_start3A_136 = arith.constant 256 : i32
    %dma_start3A_137 = arith.constant 0 : i32
    %dma_start3A_138 = tpu.memref_slice %arg12[%dma_start3A_136, %dma_start3A_137] : memref<960x32xf32, #tpu.memory_space<vmem>> -> memref<512x32xf32, #tpu.memory_space<vmem>>
    %dma_start3A_139 = arith.constant 256 : i32
    %dma_start3A_140 = tpu.memref_slice %arg10[%dma_start3A_139] : memref<960xi32, #tpu.memory_space<vmem>> -> memref<512xi32, #tpu.memory_space<vmem>>
    %dma_start3A_141 = arith.constant 0 : i32
    %dma_start3A_142 = arith.constant 0 : i32
    %dma_start3A_143 = tpu.memref_slice %arg5[%dma_start3A_141, %dma_start3A_142] : memref<1000000x32xf32, #tpu.memory_space<hbm>> -> memref<1000000x32xf32, #tpu.memory_space<hbm>>
    tpu.enqueue_indirect_dma source(%dma_start3A_143 : memref<1000000x32xf32, #tpu.memory_space<hbm>>) target(%dma_start3A_138 : memref<512x32xf32, #tpu.memory_space<vmem>>) offsets(%dma_start3A_140 : memref<512xi32, #tpu.memory_space<vmem>>) semaphore(%arg16 : memref<!tpu.dma_semaphore, #tpu.memory_space<semaphore_mem>>)
    %dma_start3A_144 = arith.constant 256 : i32
    %dma_start3A_145 = arith.constant 0 : i32
    %dma_start3A_146 = tpu.memref_slice %arg13[%dma_start3A_144, %dma_start3A_145] : memref<960x1xf32, #tpu.memory_space<vmem>> -> memref<512x1xf32, #tpu.memory_space<vmem>>
    %dma_start3A_147 = arith.constant 256 : i32
    %dma_start3A_148 = tpu.memref_slice %arg10[%dma_start3A_147] : memref<960xi32, #tpu.memory_space<vmem>> -> memref<512xi32, #tpu.memory_space<vmem>>
    %dma_start3A_149 = arith.constant 0 : i32
    %dma_start3A_150 = arith.constant 0 : i32
    %dma_start3A_151 = tpu.memref_slice %arg6[%dma_start3A_149, %dma_start3A_150] : memref<1000000x1xf32, #tpu.memory_space<hbm>> -> memref<1000000x1xf32, #tpu.memory_space<hbm>>
    tpu.enqueue_indirect_dma source(%dma_start3A_151 : memref<1000000x1xf32, #tpu.memory_space<hbm>>) target(%dma_start3A_146 : memref<512x1xf32, #tpu.memory_space<vmem>>) offsets(%dma_start3A_148 : memref<512xi32, #tpu.memory_space<vmem>>) semaphore(%arg16 : memref<!tpu.dma_semaphore, #tpu.memory_space<semaphore_mem>>)
    %dma_start3A_152 = arith.constant 256 : i32
    %dma_start3A_153 = arith.constant 0 : i32
    %dma_start3A_154 = tpu.memref_slice %arg14[%dma_start3A_152, %dma_start3A_153] : memref<960x4xf32, #tpu.memory_space<vmem>> -> memref<512x4xf32, #tpu.memory_space<vmem>>
    %dma_start3A_155 = arith.constant 256 : i32
    %dma_start3A_156 = tpu.memref_slice %arg9[%dma_start3A_155] : memref<960xi32, #tpu.memory_space<vmem>> -> memref<512xi32, #tpu.memory_space<vmem>>
    %dma_start3A_157 = arith.constant 0 : i32
    %dma_start3A_158 = arith.constant 0 : i32
    %dma_start3A_159 = tpu.memref_slice %arg7[%dma_start3A_157, %dma_start3A_158] : memref<1000000x4xf32, #tpu.memory_space<hbm>> -> memref<1000000x4xf32, #tpu.memory_space<hbm>>
    tpu.enqueue_indirect_dma source(%dma_start3A_159 : memref<1000000x4xf32, #tpu.memory_space<hbm>>) target(%dma_start3A_154 : memref<512x4xf32, #tpu.memory_space<vmem>>) offsets(%dma_start3A_156 : memref<512xi32, #tpu.memory_space<vmem>>) semaphore(%arg16 : memref<!tpu.dma_semaphore, #tpu.memory_space<semaphore_mem>>)
    %dma_start3A_160 = arith.constant 320 : i32
    %dma_start3A_161 = arith.constant 0 : i32
    %dma_start3A_162 = tpu.memref_slice %arg11[%dma_start3A_160, %dma_start3A_161] : memref<960x32xf32, #tpu.memory_space<vmem>> -> memref<512x32xf32, #tpu.memory_space<vmem>>
    %dma_start3A_163 = arith.constant 320 : i32
    %dma_start3A_164 = tpu.memref_slice %arg9[%dma_start3A_163] : memref<960xi32, #tpu.memory_space<vmem>> -> memref<512xi32, #tpu.memory_space<vmem>>
    %dma_start3A_165 = arith.constant 0 : i32
    %dma_start3A_166 = arith.constant 0 : i32
    %dma_start3A_167 = tpu.memref_slice %arg4[%dma_start3A_165, %dma_start3A_166] : memref<1000000x32xf32, #tpu.memory_space<hbm>> -> memref<1000000x32xf32, #tpu.memory_space<hbm>>
    tpu.enqueue_indirect_dma source(%dma_start3A_167 : memref<1000000x32xf32, #tpu.memory_space<hbm>>) target(%dma_start3A_162 : memref<512x32xf32, #tpu.memory_space<vmem>>) offsets(%dma_start3A_164 : memref<512xi32, #tpu.memory_space<vmem>>) semaphore(%arg16 : memref<!tpu.dma_semaphore, #tpu.memory_space<semaphore_mem>>)
    %dma_start3A_168 = arith.constant 320 : i32
    %dma_start3A_169 = arith.constant 0 : i32
    %dma_start3A_170 = tpu.memref_slice %arg12[%dma_start3A_168, %dma_start3A_169] : memref<960x32xf32, #tpu.memory_space<vmem>> -> memref<512x32xf32, #tpu.memory_space<vmem>>
    %dma_start3A_171 = arith.constant 320 : i32
    %dma_start3A_172 = tpu.memref_slice %arg10[%dma_start3A_171] : memref<960xi32, #tpu.memory_space<vmem>> -> memref<512xi32, #tpu.memory_space<vmem>>
    %dma_start3A_173 = arith.constant 0 : i32
    %dma_start3A_174 = arith.constant 0 : i32
    %dma_start3A_175 = tpu.memref_slice %arg5[%dma_start3A_173, %dma_start3A_174] : memref<1000000x32xf32, #tpu.memory_space<hbm>> -> memref<1000000x32xf32, #tpu.memory_space<hbm>>
    tpu.enqueue_indirect_dma source(%dma_start3A_175 : memref<1000000x32xf32, #tpu.memory_space<hbm>>) target(%dma_start3A_170 : memref<512x32xf32, #tpu.memory_space<vmem>>) offsets(%dma_start3A_172 : memref<512xi32, #tpu.memory_space<vmem>>) semaphore(%arg16 : memref<!tpu.dma_semaphore, #tpu.memory_space<semaphore_mem>>)
    %dma_start3A_176 = arith.constant 320 : i32
    %dma_start3A_177 = arith.constant 0 : i32
    %dma_start3A_178 = tpu.memref_slice %arg13[%dma_start3A_176, %dma_start3A_177] : memref<960x1xf32, #tpu.memory_space<vmem>> -> memref<512x1xf32, #tpu.memory_space<vmem>>
    %dma_start3A_179 = arith.constant 320 : i32
    %dma_start3A_180 = tpu.memref_slice %arg10[%dma_start3A_179] : memref<960xi32, #tpu.memory_space<vmem>> -> memref<512xi32, #tpu.memory_space<vmem>>
    %dma_start3A_181 = arith.constant 0 : i32
    %dma_start3A_182 = arith.constant 0 : i32
    %dma_start3A_183 = tpu.memref_slice %arg6[%dma_start3A_181, %dma_start3A_182] : memref<1000000x1xf32, #tpu.memory_space<hbm>> -> memref<1000000x1xf32, #tpu.memory_space<hbm>>
    tpu.enqueue_indirect_dma source(%dma_start3A_183 : memref<1000000x1xf32, #tpu.memory_space<hbm>>) target(%dma_start3A_178 : memref<512x1xf32, #tpu.memory_space<vmem>>) offsets(%dma_start3A_180 : memref<512xi32, #tpu.memory_space<vmem>>) semaphore(%arg16 : memref<!tpu.dma_semaphore, #tpu.memory_space<semaphore_mem>>)
    %dma_start3A_184 = arith.constant 320 : i32
    %dma_start3A_185 = arith.constant 0 : i32
    %dma_start3A_186 = tpu.memref_slice %arg14[%dma_start3A_184, %dma_start3A_185] : memref<960x4xf32, #tpu.memory_space<vmem>> -> memref<512x4xf32, #tpu.memory_space<vmem>>
    %dma_start3A_187 = arith.constant 320 : i32
    %dma_start3A_188 = tpu.memref_slice %arg9[%dma_start3A_187] : memref<960xi32, #tpu.memory_space<vmem>> -> memref<512xi32, #tpu.memory_space<vmem>>
    %dma_start3A_189 = arith.constant 0 : i32
    %dma_start3A_190 = arith.constant 0 : i32
    %dma_start3A_191 = tpu.memref_slice %arg7[%dma_start3A_189, %dma_start3A_190] : memref<1000000x4xf32, #tpu.memory_space<hbm>> -> memref<1000000x4xf32, #tpu.memory_space<hbm>>
    tpu.enqueue_indirect_dma source(%dma_start3A_191 : memref<1000000x4xf32, #tpu.memory_space<hbm>>) target(%dma_start3A_186 : memref<512x4xf32, #tpu.memory_space<vmem>>) offsets(%dma_start3A_188 : memref<512xi32, #tpu.memory_space<vmem>>) semaphore(%arg16 : memref<!tpu.dma_semaphore, #tpu.memory_space<semaphore_mem>>)
    %dma_start3A_192 = arith.constant 384 : i32
    %dma_start3A_193 = arith.constant 0 : i32
    %dma_start3A_194 = tpu.memref_slice %arg11[%dma_start3A_192, %dma_start3A_193] : memref<960x32xf32, #tpu.memory_space<vmem>> -> memref<512x32xf32, #tpu.memory_space<vmem>>
    %dma_start3A_195 = arith.constant 384 : i32
    %dma_start3A_196 = tpu.memref_slice %arg9[%dma_start3A_195] : memref<960xi32, #tpu.memory_space<vmem>> -> memref<512xi32, #tpu.memory_space<vmem>>
    %dma_start3A_197 = arith.constant 0 : i32
    %dma_start3A_198 = arith.constant 0 : i32
    %dma_start3A_199 = tpu.memref_slice %arg4[%dma_start3A_197, %dma_start3A_198] : memref<1000000x32xf32, #tpu.memory_space<hbm>> -> memref<1000000x32xf32, #tpu.memory_space<hbm>>
    tpu.enqueue_indirect_dma source(%dma_start3A_199 : memref<1000000x32xf32, #tpu.memory_space<hbm>>) target(%dma_start3A_194 : memref<512x32xf32, #tpu.memory_space<vmem>>) offsets(%dma_start3A_196 : memref<512xi32, #tpu.memory_space<vmem>>) semaphore(%arg16 : memref<!tpu.dma_semaphore, #tpu.memory_space<semaphore_mem>>)
    %dma_start3A_200 = arith.constant 384 : i32
    %dma_start3A_201 = arith.constant 0 : i32
    %dma_start3A_202 = tpu.memref_slice %arg12[%dma_start3A_200, %dma_start3A_201] : memref<960x32xf32, #tpu.memory_space<vmem>> -> memref<512x32xf32, #tpu.memory_space<vmem>>
    %dma_start3A_203 = arith.constant 384 : i32
    %dma_start3A_204 = tpu.memref_slice %arg10[%dma_start3A_203] : memref<960xi32, #tpu.memory_space<vmem>> -> memref<512xi32, #tpu.memory_space<vmem>>
    %dma_start3A_205 = arith.constant 0 : i32
    %dma_start3A_206 = arith.constant 0 : i32
    %dma_start3A_207 = tpu.memref_slice %arg5[%dma_start3A_205, %dma_start3A_206] : memref<1000000x32xf32, #tpu.memory_space<hbm>> -> memref<1000000x32xf32, #tpu.memory_space<hbm>>
    tpu.enqueue_indirect_dma source(%dma_start3A_207 : memref<1000000x32xf32, #tpu.memory_space<hbm>>) target(%dma_start3A_202 : memref<512x32xf32, #tpu.memory_space<vmem>>) offsets(%dma_start3A_204 : memref<512xi32, #tpu.memory_space<vmem>>) semaphore(%arg16 : memref<!tpu.dma_semaphore, #tpu.memory_space<semaphore_mem>>)
    %dma_start3A_208 = arith.constant 384 : i32
    %dma_start3A_209 = arith.constant 0 : i32
    %dma_start3A_210 = tpu.memref_slice %arg13[%dma_start3A_208, %dma_start3A_209] : memref<960x1xf32, #tpu.memory_space<vmem>> -> memref<512x1xf32, #tpu.memory_space<vmem>>
    %dma_start3A_211 = arith.constant 384 : i32
    %dma_start3A_212 = tpu.memref_slice %arg10[%dma_start3A_211] : memref<960xi32, #tpu.memory_space<vmem>> -> memref<512xi32, #tpu.memory_space<vmem>>
    %dma_start3A_213 = arith.constant 0 : i32
    %dma_start3A_214 = arith.constant 0 : i32
    %dma_start3A_215 = tpu.memref_slice %arg6[%dma_start3A_213, %dma_start3A_214] : memref<1000000x1xf32, #tpu.memory_space<hbm>> -> memref<1000000x1xf32, #tpu.memory_space<hbm>>
    tpu.enqueue_indirect_dma source(%dma_start3A_215 : memref<1000000x1xf32, #tpu.memory_space<hbm>>) target(%dma_start3A_210 : memref<512x1xf32, #tpu.memory_space<vmem>>) offsets(%dma_start3A_212 : memref<512xi32, #tpu.memory_space<vmem>>) semaphore(%arg16 : memref<!tpu.dma_semaphore, #tpu.memory_space<semaphore_mem>>)
    %dma_start3A_216 = arith.constant 384 : i32
    %dma_start3A_217 = arith.constant 0 : i32
    %dma_start3A_218 = tpu.memref_slice %arg14[%dma_start3A_216, %dma_start3A_217] : memref<960x4xf32, #tpu.memory_space<vmem>> -> memref<512x4xf32, #tpu.memory_space<vmem>>
    %dma_start3A_219 = arith.constant 384 : i32
    %dma_start3A_220 = tpu.memref_slice %arg9[%dma_start3A_219] : memref<960xi32, #tpu.memory_space<vmem>> -> memref<512xi32, #tpu.memory_space<vmem>>
    %dma_start3A_221 = arith.constant 0 : i32
    %dma_start3A_222 = arith.constant 0 : i32
    %dma_start3A_223 = tpu.memref_slice %arg7[%dma_start3A_221, %dma_start3A_222] : memref<1000000x4xf32, #tpu.memory_space<hbm>> -> memref<1000000x4xf32, #tpu.memory_space<hbm>>
    tpu.enqueue_indirect_dma source(%dma_start3A_223 : memref<1000000x4xf32, #tpu.memory_space<hbm>>) target(%dma_start3A_218 : memref<512x4xf32, #tpu.memory_space<vmem>>) offsets(%dma_start3A_220 : memref<512xi32, #tpu.memory_space<vmem>>) semaphore(%arg16 : memref<!tpu.dma_semaphore, #tpu.memory_space<semaphore_mem>>)
    %dma_start3A_224 = arith.constant 448 : i32
    %dma_start3A_225 = arith.constant 0 : i32
    %dma_start3A_226 = tpu.memref_slice %arg11[%dma_start3A_224, %dma_start3A_225] : memref<960x32xf32, #tpu.memory_space<vmem>> -> memref<512x32xf32, #tpu.memory_space<vmem>>
    %dma_start3A_227 = arith.constant 448 : i32
    %dma_start3A_228 = tpu.memref_slice %arg9[%dma_start3A_227] : memref<960xi32, #tpu.memory_space<vmem>> -> memref<512xi32, #tpu.memory_space<vmem>>
    %dma_start3A_229 = arith.constant 0 : i32
    %dma_start3A_230 = arith.constant 0 : i32
    %dma_start3A_231 = tpu.memref_slice %arg4[%dma_start3A_229, %dma_start3A_230] : memref<1000000x32xf32, #tpu.memory_space<hbm>> -> memref<1000000x32xf32, #tpu.memory_space<hbm>>
    tpu.enqueue_indirect_dma source(%dma_start3A_231 : memref<1000000x32xf32, #tpu.memory_space<hbm>>) target(%dma_start3A_226 : memref<512x32xf32, #tpu.memory_space<vmem>>) offsets(%dma_start3A_228 : memref<512xi32, #tpu.memory_space<vmem>>) semaphore(%arg16 : memref<!tpu.dma_semaphore, #tpu.memory_space<semaphore_mem>>)
    %dma_start3A_232 = arith.constant 448 : i32
    %dma_start3A_233 = arith.constant 0 : i32
    %dma_start3A_234 = tpu.memref_slice %arg12[%dma_start3A_232, %dma_start3A_233] : memref<960x32xf32, #tpu.memory_space<vmem>> -> memref<512x32xf32, #tpu.memory_space<vmem>>
    %dma_start3A_235 = arith.constant 448 : i32
    %dma_start3A_236 = tpu.memref_slice %arg10[%dma_start3A_235] : memref<960xi32, #tpu.memory_space<vmem>> -> memref<512xi32, #tpu.memory_space<vmem>>
    %dma_start3A_237 = arith.constant 0 : i32
    %dma_start3A_238 = arith.constant 0 : i32
    %dma_start3A_239 = tpu.memref_slice %arg5[%dma_start3A_237, %dma_start3A_238] : memref<1000000x32xf32, #tpu.memory_space<hbm>> -> memref<1000000x32xf32, #tpu.memory_space<hbm>>
    tpu.enqueue_indirect_dma source(%dma_start3A_239 : memref<1000000x32xf32, #tpu.memory_space<hbm>>) target(%dma_start3A_234 : memref<512x32xf32, #tpu.memory_space<vmem>>) offsets(%dma_start3A_236 : memref<512xi32, #tpu.memory_space<vmem>>) semaphore(%arg16 : memref<!tpu.dma_semaphore, #tpu.memory_space<semaphore_mem>>)
    %dma_start3A_240 = arith.constant 448 : i32
    %dma_start3A_241 = arith.constant 0 : i32
    %dma_start3A_242 = tpu.memref_slice %arg13[%dma_start3A_240, %dma_start3A_241] : memref<960x1xf32, #tpu.memory_space<vmem>> -> memref<512x1xf32, #tpu.memory_space<vmem>>
    %dma_start3A_243 = arith.constant 448 : i32
    %dma_start3A_244 = tpu.memref_slice %arg10[%dma_start3A_243] : memref<960xi32, #tpu.memory_space<vmem>> -> memref<512xi32, #tpu.memory_space<vmem>>
    %dma_start3A_245 = arith.constant 0 : i32
    %dma_start3A_246 = arith.constant 0 : i32
    %dma_start3A_247 = tpu.memref_slice %arg6[%dma_start3A_245, %dma_start3A_246] : memref<1000000x1xf32, #tpu.memory_space<hbm>> -> memref<1000000x1xf32, #tpu.memory_space<hbm>>
    tpu.enqueue_indirect_dma source(%dma_start3A_247 : memref<1000000x1xf32, #tpu.memory_space<hbm>>) target(%dma_start3A_242 : memref<512x1xf32, #tpu.memory_space<vmem>>) offsets(%dma_start3A_244 : memref<512xi32, #tpu.memory_space<vmem>>) semaphore(%arg16 : memref<!tpu.dma_semaphore, #tpu.memory_space<semaphore_mem>>)
    %dma_start3A_248 = arith.constant 448 : i32
    %dma_start3A_249 = arith.constant 0 : i32
    %dma_start3A_250 = tpu.memref_slice %arg14[%dma_start3A_248, %dma_start3A_249] : memref<960x4xf32, #tpu.memory_space<vmem>> -> memref<512x4xf32, #tpu.memory_space<vmem>>
    %dma_start3A_251 = arith.constant 448 : i32
    %dma_start3A_252 = tpu.memref_slice %arg9[%dma_start3A_251] : memref<960xi32, #tpu.memory_space<vmem>> -> memref<512xi32, #tpu.memory_space<vmem>>
    %dma_start3A_253 = arith.constant 0 : i32
    %dma_start3A_254 = arith.constant 0 : i32
    %dma_start3A_255 = tpu.memref_slice %arg7[%dma_start3A_253, %dma_start3A_254] : memref<1000000x4xf32, #tpu.memory_space<hbm>> -> memref<1000000x4xf32, #tpu.memory_space<hbm>>
    tpu.enqueue_indirect_dma source(%dma_start3A_255 : memref<1000000x4xf32, #tpu.memory_space<hbm>>) target(%dma_start3A_250 : memref<512x4xf32, #tpu.memory_space<vmem>>) offsets(%dma_start3A_252 : memref<512xi32, #tpu.memory_space<vmem>>) semaphore(%arg16 : memref<!tpu.dma_semaphore, #tpu.memory_space<semaphore_mem>>)
    %dma_wait3A = arith.constant 0 : i32
    %dma_wait3A_256 = arith.constant 0 : i32
    %dma_wait3A_257 = tpu.memref_slice %arg11[%dma_wait3A, %dma_wait3A_256] : memref<960x32xf32, #tpu.memory_space<vmem>> -> memref<512x32xf32, #tpu.memory_space<vmem>>
    %dma_wait3A_258 = arith.constant 0 : i32
    %dma_wait3A_259 = tpu.memref_slice %arg9[%dma_wait3A_258] : memref<960xi32, #tpu.memory_space<vmem>> -> memref<512xi32, #tpu.memory_space<vmem>>
    %dma_wait3A_260 = arith.constant 0 : i32
    %dma_wait3A_261 = arith.constant 0 : i32
    %dma_wait3A_262 = tpu.memref_slice %arg4[%dma_wait3A_260, %dma_wait3A_261] : memref<1000000x32xf32, #tpu.memory_space<hbm>> -> memref<1000000x32xf32, #tpu.memory_space<hbm>>
    tpu.wait_indirect_dma semaphore(%arg16 : memref<!tpu.dma_semaphore, #tpu.memory_space<semaphore_mem>>) src(%dma_wait3A_262 : memref<1000000x32xf32, #tpu.memory_space<hbm>>) dst(%dma_wait3A_257 : memref<512x32xf32, #tpu.memory_space<vmem>>)
    %dma_wait3A_263 = arith.constant 0 : i32
    %dma_wait3A_264 = arith.constant 0 : i32
    %dma_wait3A_265 = tpu.memref_slice %arg12[%dma_wait3A_263, %dma_wait3A_264] : memref<960x32xf32, #tpu.memory_space<vmem>> -> memref<512x32xf32, #tpu.memory_space<vmem>>
    %dma_wait3A_266 = arith.constant 0 : i32
    %dma_wait3A_267 = tpu.memref_slice %arg10[%dma_wait3A_266] : memref<960xi32, #tpu.memory_space<vmem>> -> memref<512xi32, #tpu.memory_space<vmem>>
    %dma_wait3A_268 = arith.constant 0 : i32
    %dma_wait3A_269 = arith.constant 0 : i32
    %dma_wait3A_270 = tpu.memref_slice %arg5[%dma_wait3A_268, %dma_wait3A_269] : memref<1000000x32xf32, #tpu.memory_space<hbm>> -> memref<1000000x32xf32, #tpu.memory_space<hbm>>
    tpu.wait_indirect_dma semaphore(%arg16 : memref<!tpu.dma_semaphore, #tpu.memory_space<semaphore_mem>>) src(%dma_wait3A_270 : memref<1000000x32xf32, #tpu.memory_space<hbm>>) dst(%dma_wait3A_265 : memref<512x32xf32, #tpu.memory_space<vmem>>)
    %dma_wait3A_271 = arith.constant 0 : i32
    %dma_wait3A_272 = arith.constant 0 : i32
    %dma_wait3A_273 = tpu.memref_slice %arg13[%dma_wait3A_271, %dma_wait3A_272] : memref<960x1xf32, #tpu.memory_space<vmem>> -> memref<512x1xf32, #tpu.memory_space<vmem>>
    %dma_wait3A_274 = arith.constant 0 : i32
    %dma_wait3A_275 = tpu.memref_slice %arg10[%dma_wait3A_274] : memref<960xi32, #tpu.memory_space<vmem>> -> memref<512xi32, #tpu.memory_space<vmem>>
    %dma_wait3A_276 = arith.constant 0 : i32
    %dma_wait3A_277 = arith.constant 0 : i32
    %dma_wait3A_278 = tpu.memref_slice %arg6[%dma_wait3A_276, %dma_wait3A_277] : memref<1000000x1xf32, #tpu.memory_space<hbm>> -> memref<1000000x1xf32, #tpu.memory_space<hbm>>
    tpu.wait_indirect_dma semaphore(%arg16 : memref<!tpu.dma_semaphore, #tpu.memory_space<semaphore_mem>>) src(%dma_wait3A_278 : memref<1000000x1xf32, #tpu.memory_space<hbm>>) dst(%dma_wait3A_273 : memref<512x1xf32, #tpu.memory_space<vmem>>)
    %dma_wait3A_279 = arith.constant 0 : i32
    %dma_wait3A_280 = arith.constant 0 : i32
    %dma_wait3A_281 = tpu.memref_slice %arg14[%dma_wait3A_279, %dma_wait3A_280] : memref<960x4xf32, #tpu.memory_space<vmem>> -> memref<512x4xf32, #tpu.memory_space<vmem>>
    %dma_wait3A_282 = arith.constant 0 : i32
    %dma_wait3A_283 = tpu.memref_slice %arg9[%dma_wait3A_282] : memref<960xi32, #tpu.memory_space<vmem>> -> memref<512xi32, #tpu.memory_space<vmem>>
    %dma_wait3A_284 = arith.constant 0 : i32
    %dma_wait3A_285 = arith.constant 0 : i32
    %dma_wait3A_286 = tpu.memref_slice %arg7[%dma_wait3A_284, %dma_wait3A_285] : memref<1000000x4xf32, #tpu.memory_space<hbm>> -> memref<1000000x4xf32, #tpu.memory_space<hbm>>
    tpu.wait_indirect_dma semaphore(%arg16 : memref<!tpu.dma_semaphore, #tpu.memory_space<semaphore_mem>>) src(%dma_wait3A_286 : memref<1000000x4xf32, #tpu.memory_space<hbm>>) dst(%dma_wait3A_281 : memref<512x4xf32, #tpu.memory_space<vmem>>)
    %dma_wait3A_287 = arith.constant 64 : i32
    %dma_wait3A_288 = arith.constant 0 : i32
    %dma_wait3A_289 = tpu.memref_slice %arg11[%dma_wait3A_287, %dma_wait3A_288] : memref<960x32xf32, #tpu.memory_space<vmem>> -> memref<512x32xf32, #tpu.memory_space<vmem>>
    %dma_wait3A_290 = arith.constant 64 : i32
    %dma_wait3A_291 = tpu.memref_slice %arg9[%dma_wait3A_290] : memref<960xi32, #tpu.memory_space<vmem>> -> memref<512xi32, #tpu.memory_space<vmem>>
    %dma_wait3A_292 = arith.constant 0 : i32
    %dma_wait3A_293 = arith.constant 0 : i32
    %dma_wait3A_294 = tpu.memref_slice %arg4[%dma_wait3A_292, %dma_wait3A_293] : memref<1000000x32xf32, #tpu.memory_space<hbm>> -> memref<1000000x32xf32, #tpu.memory_space<hbm>>
    tpu.wait_indirect_dma semaphore(%arg16 : memref<!tpu.dma_semaphore, #tpu.memory_space<semaphore_mem>>) src(%dma_wait3A_294 : memref<1000000x32xf32, #tpu.memory_space<hbm>>) dst(%dma_wait3A_289 : memref<512x32xf32, #tpu.memory_space<vmem>>)
    %dma_wait3A_295 = arith.constant 64 : i32
    %dma_wait3A_296 = arith.constant 0 : i32
    %dma_wait3A_297 = tpu.memref_slice %arg12[%dma_wait3A_295, %dma_wait3A_296] : memref<960x32xf32, #tpu.memory_space<vmem>> -> memref<512x32xf32, #tpu.memory_space<vmem>>
    %dma_wait3A_298 = arith.constant 64 : i32
    %dma_wait3A_299 = tpu.memref_slice %arg10[%dma_wait3A_298] : memref<960xi32, #tpu.memory_space<vmem>> -> memref<512xi32, #tpu.memory_space<vmem>>
    %dma_wait3A_300 = arith.constant 0 : i32
    %dma_wait3A_301 = arith.constant 0 : i32
    %dma_wait3A_302 = tpu.memref_slice %arg5[%dma_wait3A_300, %dma_wait3A_301] : memref<1000000x32xf32, #tpu.memory_space<hbm>> -> memref<1000000x32xf32, #tpu.memory_space<hbm>>
    tpu.wait_indirect_dma semaphore(%arg16 : memref<!tpu.dma_semaphore, #tpu.memory_space<semaphore_mem>>) src(%dma_wait3A_302 : memref<1000000x32xf32, #tpu.memory_space<hbm>>) dst(%dma_wait3A_297 : memref<512x32xf32, #tpu.memory_space<vmem>>)
    %dma_wait3A_303 = arith.constant 64 : i32
    %dma_wait3A_304 = arith.constant 0 : i32
    %dma_wait3A_305 = tpu.memref_slice %arg13[%dma_wait3A_303, %dma_wait3A_304] : memref<960x1xf32, #tpu.memory_space<vmem>> -> memref<512x1xf32, #tpu.memory_space<vmem>>
    %dma_wait3A_306 = arith.constant 64 : i32
    %dma_wait3A_307 = tpu.memref_slice %arg10[%dma_wait3A_306] : memref<960xi32, #tpu.memory_space<vmem>> -> memref<512xi32, #tpu.memory_space<vmem>>
    %dma_wait3A_308 = arith.constant 0 : i32
    %dma_wait3A_309 = arith.constant 0 : i32
    %dma_wait3A_310 = tpu.memref_slice %arg6[%dma_wait3A_308, %dma_wait3A_309] : memref<1000000x1xf32, #tpu.memory_space<hbm>> -> memref<1000000x1xf32, #tpu.memory_space<hbm>>
    tpu.wait_indirect_dma semaphore(%arg16 : memref<!tpu.dma_semaphore, #tpu.memory_space<semaphore_mem>>) src(%dma_wait3A_310 : memref<1000000x1xf32, #tpu.memory_space<hbm>>) dst(%dma_wait3A_305 : memref<512x1xf32, #tpu.memory_space<vmem>>)
    %dma_wait3A_311 = arith.constant 64 : i32
    %dma_wait3A_312 = arith.constant 0 : i32
    %dma_wait3A_313 = tpu.memref_slice %arg14[%dma_wait3A_311, %dma_wait3A_312] : memref<960x4xf32, #tpu.memory_space<vmem>> -> memref<512x4xf32, #tpu.memory_space<vmem>>
    %dma_wait3A_314 = arith.constant 64 : i32
    %dma_wait3A_315 = tpu.memref_slice %arg9[%dma_wait3A_314] : memref<960xi32, #tpu.memory_space<vmem>> -> memref<512xi32, #tpu.memory_space<vmem>>
    %dma_wait3A_316 = arith.constant 0 : i32
    %dma_wait3A_317 = arith.constant 0 : i32
    %dma_wait3A_318 = tpu.memref_slice %arg7[%dma_wait3A_316, %dma_wait3A_317] : memref<1000000x4xf32, #tpu.memory_space<hbm>> -> memref<1000000x4xf32, #tpu.memory_space<hbm>>
    tpu.wait_indirect_dma semaphore(%arg16 : memref<!tpu.dma_semaphore, #tpu.memory_space<semaphore_mem>>) src(%dma_wait3A_318 : memref<1000000x4xf32, #tpu.memory_space<hbm>>) dst(%dma_wait3A_313 : memref<512x4xf32, #tpu.memory_space<vmem>>)
    %dma_wait3A_319 = arith.constant 128 : i32
    %dma_wait3A_320 = arith.constant 0 : i32
    %dma_wait3A_321 = tpu.memref_slice %arg11[%dma_wait3A_319, %dma_wait3A_320] : memref<960x32xf32, #tpu.memory_space<vmem>> -> memref<512x32xf32, #tpu.memory_space<vmem>>
    %dma_wait3A_322 = arith.constant 128 : i32
    %dma_wait3A_323 = tpu.memref_slice %arg9[%dma_wait3A_322] : memref<960xi32, #tpu.memory_space<vmem>> -> memref<512xi32, #tpu.memory_space<vmem>>
    %dma_wait3A_324 = arith.constant 0 : i32
    %dma_wait3A_325 = arith.constant 0 : i32
    %dma_wait3A_326 = tpu.memref_slice %arg4[%dma_wait3A_324, %dma_wait3A_325] : memref<1000000x32xf32, #tpu.memory_space<hbm>> -> memref<1000000x32xf32, #tpu.memory_space<hbm>>
    tpu.wait_indirect_dma semaphore(%arg16 : memref<!tpu.dma_semaphore, #tpu.memory_space<semaphore_mem>>) src(%dma_wait3A_326 : memref<1000000x32xf32, #tpu.memory_space<hbm>>) dst(%dma_wait3A_321 : memref<512x32xf32, #tpu.memory_space<vmem>>)
    %dma_wait3A_327 = arith.constant 128 : i32
    %dma_wait3A_328 = arith.constant 0 : i32
    %dma_wait3A_329 = tpu.memref_slice %arg12[%dma_wait3A_327, %dma_wait3A_328] : memref<960x32xf32, #tpu.memory_space<vmem>> -> memref<512x32xf32, #tpu.memory_space<vmem>>
    %dma_wait3A_330 = arith.constant 128 : i32
    %dma_wait3A_331 = tpu.memref_slice %arg10[%dma_wait3A_330] : memref<960xi32, #tpu.memory_space<vmem>> -> memref<512xi32, #tpu.memory_space<vmem>>
    %dma_wait3A_332 = arith.constant 0 : i32
    %dma_wait3A_333 = arith.constant 0 : i32
    %dma_wait3A_334 = tpu.memref_slice %arg5[%dma_wait3A_332, %dma_wait3A_333] : memref<1000000x32xf32, #tpu.memory_space<hbm>> -> memref<1000000x32xf32, #tpu.memory_space<hbm>>
    tpu.wait_indirect_dma semaphore(%arg16 : memref<!tpu.dma_semaphore, #tpu.memory_space<semaphore_mem>>) src(%dma_wait3A_334 : memref<1000000x32xf32, #tpu.memory_space<hbm>>) dst(%dma_wait3A_329 : memref<512x32xf32, #tpu.memory_space<vmem>>)
    %dma_wait3A_335 = arith.constant 128 : i32
    %dma_wait3A_336 = arith.constant 0 : i32
    %dma_wait3A_337 = tpu.memref_slice %arg13[%dma_wait3A_335, %dma_wait3A_336] : memref<960x1xf32, #tpu.memory_space<vmem>> -> memref<512x1xf32, #tpu.memory_space<vmem>>
    %dma_wait3A_338 = arith.constant 128 : i32
    %dma_wait3A_339 = tpu.memref_slice %arg10[%dma_wait3A_338] : memref<960xi32, #tpu.memory_space<vmem>> -> memref<512xi32, #tpu.memory_space<vmem>>
    %dma_wait3A_340 = arith.constant 0 : i32
    %dma_wait3A_341 = arith.constant 0 : i32
    %dma_wait3A_342 = tpu.memref_slice %arg6[%dma_wait3A_340, %dma_wait3A_341] : memref<1000000x1xf32, #tpu.memory_space<hbm>> -> memref<1000000x1xf32, #tpu.memory_space<hbm>>
    tpu.wait_indirect_dma semaphore(%arg16 : memref<!tpu.dma_semaphore, #tpu.memory_space<semaphore_mem>>) src(%dma_wait3A_342 : memref<1000000x1xf32, #tpu.memory_space<hbm>>) dst(%dma_wait3A_337 : memref<512x1xf32, #tpu.memory_space<vmem>>)
    %dma_wait3A_343 = arith.constant 128 : i32
    %dma_wait3A_344 = arith.constant 0 : i32
    %dma_wait3A_345 = tpu.memref_slice %arg14[%dma_wait3A_343, %dma_wait3A_344] : memref<960x4xf32, #tpu.memory_space<vmem>> -> memref<512x4xf32, #tpu.memory_space<vmem>>
    %dma_wait3A_346 = arith.constant 128 : i32
    %dma_wait3A_347 = tpu.memref_slice %arg9[%dma_wait3A_346] : memref<960xi32, #tpu.memory_space<vmem>> -> memref<512xi32, #tpu.memory_space<vmem>>
    %dma_wait3A_348 = arith.constant 0 : i32
    %dma_wait3A_349 = arith.constant 0 : i32
    %dma_wait3A_350 = tpu.memref_slice %arg7[%dma_wait3A_348, %dma_wait3A_349] : memref<1000000x4xf32, #tpu.memory_space<hbm>> -> memref<1000000x4xf32, #tpu.memory_space<hbm>>
    tpu.wait_indirect_dma semaphore(%arg16 : memref<!tpu.dma_semaphore, #tpu.memory_space<semaphore_mem>>) src(%dma_wait3A_350 : memref<1000000x4xf32, #tpu.memory_space<hbm>>) dst(%dma_wait3A_345 : memref<512x4xf32, #tpu.memory_space<vmem>>)
    %dma_wait3A_351 = arith.constant 192 : i32
    %dma_wait3A_352 = arith.constant 0 : i32
    %dma_wait3A_353 = tpu.memref_slice %arg11[%dma_wait3A_351, %dma_wait3A_352] : memref<960x32xf32, #tpu.memory_space<vmem>> -> memref<512x32xf32, #tpu.memory_space<vmem>>
    %dma_wait3A_354 = arith.constant 192 : i32
    %dma_wait3A_355 = tpu.memref_slice %arg9[%dma_wait3A_354] : memref<960xi32, #tpu.memory_space<vmem>> -> memref<512xi32, #tpu.memory_space<vmem>>
    %dma_wait3A_356 = arith.constant 0 : i32
    %dma_wait3A_357 = arith.constant 0 : i32
    %dma_wait3A_358 = tpu.memref_slice %arg4[%dma_wait3A_356, %dma_wait3A_357] : memref<1000000x32xf32, #tpu.memory_space<hbm>> -> memref<1000000x32xf32, #tpu.memory_space<hbm>>
    tpu.wait_indirect_dma semaphore(%arg16 : memref<!tpu.dma_semaphore, #tpu.memory_space<semaphore_mem>>) src(%dma_wait3A_358 : memref<1000000x32xf32, #tpu.memory_space<hbm>>) dst(%dma_wait3A_353 : memref<512x32xf32, #tpu.memory_space<vmem>>)
    %dma_wait3A_359 = arith.constant 192 : i32
    %dma_wait3A_360 = arith.constant 0 : i32
    %dma_wait3A_361 = tpu.memref_slice %arg12[%dma_wait3A_359, %dma_wait3A_360] : memref<960x32xf32, #tpu.memory_space<vmem>> -> memref<512x32xf32, #tpu.memory_space<vmem>>
    %dma_wait3A_362 = arith.constant 192 : i32
    %dma_wait3A_363 = tpu.memref_slice %arg10[%dma_wait3A_362] : memref<960xi32, #tpu.memory_space<vmem>> -> memref<512xi32, #tpu.memory_space<vmem>>
    %dma_wait3A_364 = arith.constant 0 : i32
    %dma_wait3A_365 = arith.constant 0 : i32
    %dma_wait3A_366 = tpu.memref_slice %arg5[%dma_wait3A_364, %dma_wait3A_365] : memref<1000000x32xf32, #tpu.memory_space<hbm>> -> memref<1000000x32xf32, #tpu.memory_space<hbm>>
    tpu.wait_indirect_dma semaphore(%arg16 : memref<!tpu.dma_semaphore, #tpu.memory_space<semaphore_mem>>) src(%dma_wait3A_366 : memref<1000000x32xf32, #tpu.memory_space<hbm>>) dst(%dma_wait3A_361 : memref<512x32xf32, #tpu.memory_space<vmem>>)
    %dma_wait3A_367 = arith.constant 192 : i32
    %dma_wait3A_368 = arith.constant 0 : i32
    %dma_wait3A_369 = tpu.memref_slice %arg13[%dma_wait3A_367, %dma_wait3A_368] : memref<960x1xf32, #tpu.memory_space<vmem>> -> memref<512x1xf32, #tpu.memory_space<vmem>>
    %dma_wait3A_370 = arith.constant 192 : i32
    %dma_wait3A_371 = tpu.memref_slice %arg10[%dma_wait3A_370] : memref<960xi32, #tpu.memory_space<vmem>> -> memref<512xi32, #tpu.memory_space<vmem>>
    %dma_wait3A_372 = arith.constant 0 : i32
    %dma_wait3A_373 = arith.constant 0 : i32
    %dma_wait3A_374 = tpu.memref_slice %arg6[%dma_wait3A_372, %dma_wait3A_373] : memref<1000000x1xf32, #tpu.memory_space<hbm>> -> memref<1000000x1xf32, #tpu.memory_space<hbm>>
    tpu.wait_indirect_dma semaphore(%arg16 : memref<!tpu.dma_semaphore, #tpu.memory_space<semaphore_mem>>) src(%dma_wait3A_374 : memref<1000000x1xf32, #tpu.memory_space<hbm>>) dst(%dma_wait3A_369 : memref<512x1xf32, #tpu.memory_space<vmem>>)
    %dma_wait3A_375 = arith.constant 192 : i32
    %dma_wait3A_376 = arith.constant 0 : i32
    %dma_wait3A_377 = tpu.memref_slice %arg14[%dma_wait3A_375, %dma_wait3A_376] : memref<960x4xf32, #tpu.memory_space<vmem>> -> memref<512x4xf32, #tpu.memory_space<vmem>>
    %dma_wait3A_378 = arith.constant 192 : i32
    %dma_wait3A_379 = tpu.memref_slice %arg9[%dma_wait3A_378] : memref<960xi32, #tpu.memory_space<vmem>> -> memref<512xi32, #tpu.memory_space<vmem>>
    %dma_wait3A_380 = arith.constant 0 : i32
    %dma_wait3A_381 = arith.constant 0 : i32
    %dma_wait3A_382 = tpu.memref_slice %arg7[%dma_wait3A_380, %dma_wait3A_381] : memref<1000000x4xf32, #tpu.memory_space<hbm>> -> memref<1000000x4xf32, #tpu.memory_space<hbm>>
    tpu.wait_indirect_dma semaphore(%arg16 : memref<!tpu.dma_semaphore, #tpu.memory_space<semaphore_mem>>) src(%dma_wait3A_382 : memref<1000000x4xf32, #tpu.memory_space<hbm>>) dst(%dma_wait3A_377 : memref<512x4xf32, #tpu.memory_space<vmem>>)
    %dma_wait3A_383 = arith.constant 256 : i32
    %dma_wait3A_384 = arith.constant 0 : i32
    %dma_wait3A_385 = tpu.memref_slice %arg11[%dma_wait3A_383, %dma_wait3A_384] : memref<960x32xf32, #tpu.memory_space<vmem>> -> memref<512x32xf32, #tpu.memory_space<vmem>>
    %dma_wait3A_386 = arith.constant 256 : i32
    %dma_wait3A_387 = tpu.memref_slice %arg9[%dma_wait3A_386] : memref<960xi32, #tpu.memory_space<vmem>> -> memref<512xi32, #tpu.memory_space<vmem>>
    %dma_wait3A_388 = arith.constant 0 : i32
    %dma_wait3A_389 = arith.constant 0 : i32
    %dma_wait3A_390 = tpu.memref_slice %arg4[%dma_wait3A_388, %dma_wait3A_389] : memref<1000000x32xf32, #tpu.memory_space<hbm>> -> memref<1000000x32xf32, #tpu.memory_space<hbm>>
    tpu.wait_indirect_dma semaphore(%arg16 : memref<!tpu.dma_semaphore, #tpu.memory_space<semaphore_mem>>) src(%dma_wait3A_390 : memref<1000000x32xf32, #tpu.memory_space<hbm>>) dst(%dma_wait3A_385 : memref<512x32xf32, #tpu.memory_space<vmem>>)
    %dma_wait3A_391 = arith.constant 256 : i32
    %dma_wait3A_392 = arith.constant 0 : i32
    %dma_wait3A_393 = tpu.memref_slice %arg12[%dma_wait3A_391, %dma_wait3A_392] : memref<960x32xf32, #tpu.memory_space<vmem>> -> memref<512x32xf32, #tpu.memory_space<vmem>>
    %dma_wait3A_394 = arith.constant 256 : i32
    %dma_wait3A_395 = tpu.memref_slice %arg10[%dma_wait3A_394] : memref<960xi32, #tpu.memory_space<vmem>> -> memref<512xi32, #tpu.memory_space<vmem>>
    %dma_wait3A_396 = arith.constant 0 : i32
    %dma_wait3A_397 = arith.constant 0 : i32
    %dma_wait3A_398 = tpu.memref_slice %arg5[%dma_wait3A_396, %dma_wait3A_397] : memref<1000000x32xf32, #tpu.memory_space<hbm>> -> memref<1000000x32xf32, #tpu.memory_space<hbm>>
    tpu.wait_indirect_dma semaphore(%arg16 : memref<!tpu.dma_semaphore, #tpu.memory_space<semaphore_mem>>) src(%dma_wait3A_398 : memref<1000000x32xf32, #tpu.memory_space<hbm>>) dst(%dma_wait3A_393 : memref<512x32xf32, #tpu.memory_space<vmem>>)
    %dma_wait3A_399 = arith.constant 256 : i32
    %dma_wait3A_400 = arith.constant 0 : i32
    %dma_wait3A_401 = tpu.memref_slice %arg13[%dma_wait3A_399, %dma_wait3A_400] : memref<960x1xf32, #tpu.memory_space<vmem>> -> memref<512x1xf32, #tpu.memory_space<vmem>>
    %dma_wait3A_402 = arith.constant 256 : i32
    %dma_wait3A_403 = tpu.memref_slice %arg10[%dma_wait3A_402] : memref<960xi32, #tpu.memory_space<vmem>> -> memref<512xi32, #tpu.memory_space<vmem>>
    %dma_wait3A_404 = arith.constant 0 : i32
    %dma_wait3A_405 = arith.constant 0 : i32
    %dma_wait3A_406 = tpu.memref_slice %arg6[%dma_wait3A_404, %dma_wait3A_405] : memref<1000000x1xf32, #tpu.memory_space<hbm>> -> memref<1000000x1xf32, #tpu.memory_space<hbm>>
    tpu.wait_indirect_dma semaphore(%arg16 : memref<!tpu.dma_semaphore, #tpu.memory_space<semaphore_mem>>) src(%dma_wait3A_406 : memref<1000000x1xf32, #tpu.memory_space<hbm>>) dst(%dma_wait3A_401 : memref<512x1xf32, #tpu.memory_space<vmem>>)
    %dma_wait3A_407 = arith.constant 256 : i32
    %dma_wait3A_408 = arith.constant 0 : i32
    %dma_wait3A_409 = tpu.memref_slice %arg14[%dma_wait3A_407, %dma_wait3A_408] : memref<960x4xf32, #tpu.memory_space<vmem>> -> memref<512x4xf32, #tpu.memory_space<vmem>>
    %dma_wait3A_410 = arith.constant 256 : i32
    %dma_wait3A_411 = tpu.memref_slice %arg9[%dma_wait3A_410] : memref<960xi32, #tpu.memory_space<vmem>> -> memref<512xi32, #tpu.memory_space<vmem>>
    %dma_wait3A_412 = arith.constant 0 : i32
    %dma_wait3A_413 = arith.constant 0 : i32
    %dma_wait3A_414 = tpu.memref_slice %arg7[%dma_wait3A_412, %dma_wait3A_413] : memref<1000000x4xf32, #tpu.memory_space<hbm>> -> memref<1000000x4xf32, #tpu.memory_space<hbm>>
    tpu.wait_indirect_dma semaphore(%arg16 : memref<!tpu.dma_semaphore, #tpu.memory_space<semaphore_mem>>) src(%dma_wait3A_414 : memref<1000000x4xf32, #tpu.memory_space<hbm>>) dst(%dma_wait3A_409 : memref<512x4xf32, #tpu.memory_space<vmem>>)
    %dma_wait3A_415 = arith.constant 320 : i32
    %dma_wait3A_416 = arith.constant 0 : i32
    %dma_wait3A_417 = tpu.memref_slice %arg11[%dma_wait3A_415, %dma_wait3A_416] : memref<960x32xf32, #tpu.memory_space<vmem>> -> memref<512x32xf32, #tpu.memory_space<vmem>>
    %dma_wait3A_418 = arith.constant 320 : i32
    %dma_wait3A_419 = tpu.memref_slice %arg9[%dma_wait3A_418] : memref<960xi32, #tpu.memory_space<vmem>> -> memref<512xi32, #tpu.memory_space<vmem>>
    %dma_wait3A_420 = arith.constant 0 : i32
    %dma_wait3A_421 = arith.constant 0 : i32
    %dma_wait3A_422 = tpu.memref_slice %arg4[%dma_wait3A_420, %dma_wait3A_421] : memref<1000000x32xf32, #tpu.memory_space<hbm>> -> memref<1000000x32xf32, #tpu.memory_space<hbm>>
    tpu.wait_indirect_dma semaphore(%arg16 : memref<!tpu.dma_semaphore, #tpu.memory_space<semaphore_mem>>) src(%dma_wait3A_422 : memref<1000000x32xf32, #tpu.memory_space<hbm>>) dst(%dma_wait3A_417 : memref<512x32xf32, #tpu.memory_space<vmem>>)
    %dma_wait3A_423 = arith.constant 320 : i32
    %dma_wait3A_424 = arith.constant 0 : i32
    %dma_wait3A_425 = tpu.memref_slice %arg12[%dma_wait3A_423, %dma_wait3A_424] : memref<960x32xf32, #tpu.memory_space<vmem>> -> memref<512x32xf32, #tpu.memory_space<vmem>>
    %dma_wait3A_426 = arith.constant 320 : i32
    %dma_wait3A_427 = tpu.memref_slice %arg10[%dma_wait3A_426] : memref<960xi32, #tpu.memory_space<vmem>> -> memref<512xi32, #tpu.memory_space<vmem>>
    %dma_wait3A_428 = arith.constant 0 : i32
    %dma_wait3A_429 = arith.constant 0 : i32
    %dma_wait3A_430 = tpu.memref_slice %arg5[%dma_wait3A_428, %dma_wait3A_429] : memref<1000000x32xf32, #tpu.memory_space<hbm>> -> memref<1000000x32xf32, #tpu.memory_space<hbm>>
    tpu.wait_indirect_dma semaphore(%arg16 : memref<!tpu.dma_semaphore, #tpu.memory_space<semaphore_mem>>) src(%dma_wait3A_430 : memref<1000000x32xf32, #tpu.memory_space<hbm>>) dst(%dma_wait3A_425 : memref<512x32xf32, #tpu.memory_space<vmem>>)
    %dma_wait3A_431 = arith.constant 320 : i32
    %dma_wait3A_432 = arith.constant 0 : i32
    %dma_wait3A_433 = tpu.memref_slice %arg13[%dma_wait3A_431, %dma_wait3A_432] : memref<960x1xf32, #tpu.memory_space<vmem>> -> memref<512x1xf32, #tpu.memory_space<vmem>>
    %dma_wait3A_434 = arith.constant 320 : i32
    %dma_wait3A_435 = tpu.memref_slice %arg10[%dma_wait3A_434] : memref<960xi32, #tpu.memory_space<vmem>> -> memref<512xi32, #tpu.memory_space<vmem>>
    %dma_wait3A_436 = arith.constant 0 : i32
    %dma_wait3A_437 = arith.constant 0 : i32
    %dma_wait3A_438 = tpu.memref_slice %arg6[%dma_wait3A_436, %dma_wait3A_437] : memref<1000000x1xf32, #tpu.memory_space<hbm>> -> memref<1000000x1xf32, #tpu.memory_space<hbm>>
    tpu.wait_indirect_dma semaphore(%arg16 : memref<!tpu.dma_semaphore, #tpu.memory_space<semaphore_mem>>) src(%dma_wait3A_438 : memref<1000000x1xf32, #tpu.memory_space<hbm>>) dst(%dma_wait3A_433 : memref<512x1xf32, #tpu.memory_space<vmem>>)
    %dma_wait3A_439 = arith.constant 320 : i32
    %dma_wait3A_440 = arith.constant 0 : i32
    %dma_wait3A_441 = tpu.memref_slice %arg14[%dma_wait3A_439, %dma_wait3A_440] : memref<960x4xf32, #tpu.memory_space<vmem>> -> memref<512x4xf32, #tpu.memory_space<vmem>>
    %dma_wait3A_442 = arith.constant 320 : i32
    %dma_wait3A_443 = tpu.memref_slice %arg9[%dma_wait3A_442] : memref<960xi32, #tpu.memory_space<vmem>> -> memref<512xi32, #tpu.memory_space<vmem>>
    %dma_wait3A_444 = arith.constant 0 : i32
    %dma_wait3A_445 = arith.constant 0 : i32
    %dma_wait3A_446 = tpu.memref_slice %arg7[%dma_wait3A_444, %dma_wait3A_445] : memref<1000000x4xf32, #tpu.memory_space<hbm>> -> memref<1000000x4xf32, #tpu.memory_space<hbm>>
    tpu.wait_indirect_dma semaphore(%arg16 : memref<!tpu.dma_semaphore, #tpu.memory_space<semaphore_mem>>) src(%dma_wait3A_446 : memref<1000000x4xf32, #tpu.memory_space<hbm>>) dst(%dma_wait3A_441 : memref<512x4xf32, #tpu.memory_space<vmem>>)
    %dma_wait3A_447 = arith.constant 384 : i32
    %dma_wait3A_448 = arith.constant 0 : i32
    %dma_wait3A_449 = tpu.memref_slice %arg11[%dma_wait3A_447, %dma_wait3A_448] : memref<960x32xf32, #tpu.memory_space<vmem>> -> memref<512x32xf32, #tpu.memory_space<vmem>>
    %dma_wait3A_450 = arith.constant 384 : i32
    %dma_wait3A_451 = tpu.memref_slice %arg9[%dma_wait3A_450] : memref<960xi32, #tpu.memory_space<vmem>> -> memref<512xi32, #tpu.memory_space<vmem>>
    %dma_wait3A_452 = arith.constant 0 : i32
    %dma_wait3A_453 = arith.constant 0 : i32
    %dma_wait3A_454 = tpu.memref_slice %arg4[%dma_wait3A_452, %dma_wait3A_453] : memref<1000000x32xf32, #tpu.memory_space<hbm>> -> memref<1000000x32xf32, #tpu.memory_space<hbm>>
    tpu.wait_indirect_dma semaphore(%arg16 : memref<!tpu.dma_semaphore, #tpu.memory_space<semaphore_mem>>) src(%dma_wait3A_454 : memref<1000000x32xf32, #tpu.memory_space<hbm>>) dst(%dma_wait3A_449 : memref<512x32xf32, #tpu.memory_space<vmem>>)
    %dma_wait3A_455 = arith.constant 384 : i32
    %dma_wait3A_456 = arith.constant 0 : i32
    %dma_wait3A_457 = tpu.memref_slice %arg12[%dma_wait3A_455, %dma_wait3A_456] : memref<960x32xf32, #tpu.memory_space<vmem>> -> memref<512x32xf32, #tpu.memory_space<vmem>>
    %dma_wait3A_458 = arith.constant 384 : i32
    %dma_wait3A_459 = tpu.memref_slice %arg10[%dma_wait3A_458] : memref<960xi32, #tpu.memory_space<vmem>> -> memref<512xi32, #tpu.memory_space<vmem>>
    %dma_wait3A_460 = arith.constant 0 : i32
    %dma_wait3A_461 = arith.constant 0 : i32
    %dma_wait3A_462 = tpu.memref_slice %arg5[%dma_wait3A_460, %dma_wait3A_461] : memref<1000000x32xf32, #tpu.memory_space<hbm>> -> memref<1000000x32xf32, #tpu.memory_space<hbm>>
    tpu.wait_indirect_dma semaphore(%arg16 : memref<!tpu.dma_semaphore, #tpu.memory_space<semaphore_mem>>) src(%dma_wait3A_462 : memref<1000000x32xf32, #tpu.memory_space<hbm>>) dst(%dma_wait3A_457 : memref<512x32xf32, #tpu.memory_space<vmem>>)
    %dma_wait3A_463 = arith.constant 384 : i32
    %dma_wait3A_464 = arith.constant 0 : i32
    %dma_wait3A_465 = tpu.memref_slice %arg13[%dma_wait3A_463, %dma_wait3A_464] : memref<960x1xf32, #tpu.memory_space<vmem>> -> memref<512x1xf32, #tpu.memory_space<vmem>>
    %dma_wait3A_466 = arith.constant 384 : i32
    %dma_wait3A_467 = tpu.memref_slice %arg10[%dma_wait3A_466] : memref<960xi32, #tpu.memory_space<vmem>> -> memref<512xi32, #tpu.memory_space<vmem>>
    %dma_wait3A_468 = arith.constant 0 : i32
    %dma_wait3A_469 = arith.constant 0 : i32
    %dma_wait3A_470 = tpu.memref_slice %arg6[%dma_wait3A_468, %dma_wait3A_469] : memref<1000000x1xf32, #tpu.memory_space<hbm>> -> memref<1000000x1xf32, #tpu.memory_space<hbm>>
    tpu.wait_indirect_dma semaphore(%arg16 : memref<!tpu.dma_semaphore, #tpu.memory_space<semaphore_mem>>) src(%dma_wait3A_470 : memref<1000000x1xf32, #tpu.memory_space<hbm>>) dst(%dma_wait3A_465 : memref<512x1xf32, #tpu.memory_space<vmem>>)
    %dma_wait3A_471 = arith.constant 384 : i32
    %dma_wait3A_472 = arith.constant 0 : i32
    %dma_wait3A_473 = tpu.memref_slice %arg14[%dma_wait3A_471, %dma_wait3A_472] : memref<960x4xf32, #tpu.memory_space<vmem>> -> memref<512x4xf32, #tpu.memory_space<vmem>>
    %dma_wait3A_474 = arith.constant 384 : i32
    %dma_wait3A_475 = tpu.memref_slice %arg9[%dma_wait3A_474] : memref<960xi32, #tpu.memory_space<vmem>> -> memref<512xi32, #tpu.memory_space<vmem>>
    %dma_wait3A_476 = arith.constant 0 : i32
    %dma_wait3A_477 = arith.constant 0 : i32
    %dma_wait3A_478 = tpu.memref_slice %arg7[%dma_wait3A_476, %dma_wait3A_477] : memref<1000000x4xf32, #tpu.memory_space<hbm>> -> memref<1000000x4xf32, #tpu.memory_space<hbm>>
    tpu.wait_indirect_dma semaphore(%arg16 : memref<!tpu.dma_semaphore, #tpu.memory_space<semaphore_mem>>) src(%dma_wait3A_478 : memref<1000000x4xf32, #tpu.memory_space<hbm>>) dst(%dma_wait3A_473 : memref<512x4xf32, #tpu.memory_space<vmem>>)
    %dma_wait3A_479 = arith.constant 448 : i32
    %dma_wait3A_480 = arith.constant 0 : i32
    %dma_wait3A_481 = tpu.memref_slice %arg11[%dma_wait3A_479, %dma_wait3A_480] : memref<960x32xf32, #tpu.memory_space<vmem>> -> memref<512x32xf32, #tpu.memory_space<vmem>>
    %dma_wait3A_482 = arith.constant 448 : i32
    %dma_wait3A_483 = tpu.memref_slice %arg9[%dma_wait3A_482] : memref<960xi32, #tpu.memory_space<vmem>> -> memref<512xi32, #tpu.memory_space<vmem>>
    %dma_wait3A_484 = arith.constant 0 : i32
    %dma_wait3A_485 = arith.constant 0 : i32
    %dma_wait3A_486 = tpu.memref_slice %arg4[%dma_wait3A_484, %dma_wait3A_485] : memref<1000000x32xf32, #tpu.memory_space<hbm>> -> memref<1000000x32xf32, #tpu.memory_space<hbm>>
    tpu.wait_indirect_dma semaphore(%arg16 : memref<!tpu.dma_semaphore, #tpu.memory_space<semaphore_mem>>) src(%dma_wait3A_486 : memref<1000000x32xf32, #tpu.memory_space<hbm>>) dst(%dma_wait3A_481 : memref<512x32xf32, #tpu.memory_space<vmem>>)
    %dma_wait3A_487 = arith.constant 448 : i32
    %dma_wait3A_488 = arith.constant 0 : i32
    %dma_wait3A_489 = tpu.memref_slice %arg12[%dma_wait3A_487, %dma_wait3A_488] : memref<960x32xf32, #tpu.memory_space<vmem>> -> memref<512x32xf32, #tpu.memory_space<vmem>>
    %dma_wait3A_490 = arith.constant 448 : i32
    %dma_wait3A_491 = tpu.memref_slice %arg10[%dma_wait3A_490] : memref<960xi32, #tpu.memory_space<vmem>> -> memref<512xi32, #tpu.memory_space<vmem>>
    %dma_wait3A_492 = arith.constant 0 : i32
    %dma_wait3A_493 = arith.constant 0 : i32
    %dma_wait3A_494 = tpu.memref_slice %arg5[%dma_wait3A_492, %dma_wait3A_493] : memref<1000000x32xf32, #tpu.memory_space<hbm>> -> memref<1000000x32xf32, #tpu.memory_space<hbm>>
    tpu.wait_indirect_dma semaphore(%arg16 : memref<!tpu.dma_semaphore, #tpu.memory_space<semaphore_mem>>) src(%dma_wait3A_494 : memref<1000000x32xf32, #tpu.memory_space<hbm>>) dst(%dma_wait3A_489 : memref<512x32xf32, #tpu.memory_space<vmem>>)
    %dma_wait3A_495 = arith.constant 448 : i32
    %dma_wait3A_496 = arith.constant 0 : i32
    %dma_wait3A_497 = tpu.memref_slice %arg13[%dma_wait3A_495, %dma_wait3A_496] : memref<960x1xf32, #tpu.memory_space<vmem>> -> memref<512x1xf32, #tpu.memory_space<vmem>>
    %dma_wait3A_498 = arith.constant 448 : i32
    %dma_wait3A_499 = tpu.memref_slice %arg10[%dma_wait3A_498] : memref<960xi32, #tpu.memory_space<vmem>> -> memref<512xi32, #tpu.memory_space<vmem>>
    %dma_wait3A_500 = arith.constant 0 : i32
    %dma_wait3A_501 = arith.constant 0 : i32
    %dma_wait3A_502 = tpu.memref_slice %arg6[%dma_wait3A_500, %dma_wait3A_501] : memref<1000000x1xf32, #tpu.memory_space<hbm>> -> memref<1000000x1xf32, #tpu.memory_space<hbm>>
    tpu.wait_indirect_dma semaphore(%arg16 : memref<!tpu.dma_semaphore, #tpu.memory_space<semaphore_mem>>) src(%dma_wait3A_502 : memref<1000000x1xf32, #tpu.memory_space<hbm>>) dst(%dma_wait3A_497 : memref<512x1xf32, #tpu.memory_space<vmem>>)
    %dma_wait3A_503 = arith.constant 448 : i32
    %dma_wait3A_504 = arith.constant 0 : i32
    %dma_wait3A_505 = tpu.memref_slice %arg14[%dma_wait3A_503, %dma_wait3A_504] : memref<960x4xf32, #tpu.memory_space<vmem>> -> memref<512x4xf32, #tpu.memory_space<vmem>>
    %dma_wait3A_506 = arith.constant 448 : i32
    %dma_wait3A_507 = tpu.memref_slice %arg9[%dma_wait3A_506] : memref<960xi32, #tpu.memory_space<vmem>> -> memref<512xi32, #tpu.memory_space<vmem>>
    %dma_wait3A_508 = arith.constant 0 : i32
    %dma_wait3A_509 = arith.constant 0 : i32
    %dma_wait3A_510 = tpu.memref_slice %arg7[%dma_wait3A_508, %dma_wait3A_509] : memref<1000000x4xf32, #tpu.memory_space<hbm>> -> memref<1000000x4xf32, #tpu.memory_space<hbm>>
    tpu.wait_indirect_dma semaphore(%arg16 : memref<!tpu.dma_semaphore, #tpu.memory_space<semaphore_mem>>) src(%dma_wait3A_510 : memref<1000000x4xf32, #tpu.memory_space<hbm>>) dst(%dma_wait3A_505 : memref<512x4xf32, #tpu.memory_space<vmem>>)
    %iota3A = tpu.iota {dimensions = array<i32: 0>} : vector<16xi32>
    %scan3A = arith.constant 0 : i32
    %scan3A_511 = arith.constant 0 : i32
    %scan3A_512 = arith.constant 32 : i32
    %scan3A_513 = arith.addi %scan3A_511, %scan3A_512 : i32
    %scan3A_514 = arith.constant 1 : i32
    scf.for %scan3A_516 = %scan3A_511 to %scan3A_513 step %scan3A_514  : i32 {
      %mul3A_517 = arith.constant 16 : i32
      %mul3A_518 = arith.muli %scan3A_516, %mul3A_517 : i32
      %add3A_519 = vector.broadcast %mul3A_518 : i32 to vector<16xi32>
      %add3A_520 = arith.addi %add3A_519, %iota3A : vector<16xi32>
      %broadcast_in_dim3A = arith.constant 0 : i32
      %broadcast_in_dim3A_521 = vector.broadcast %broadcast_in_dim3A : i32 to vector<16xi32>
      %gather3A = tpu.vector_load_idx %arg13[%add3A_520, %broadcast_in_dim3A_521] : memref<960x1xf32, #tpu.memory_space<vmem>>[vector<16xi32>, vector<16xi32>], vector<16xf32>,
      %broadcast_in_dim3A_522 = arith.constant 0 : i32
      %broadcast_in_dim3A_523 = vector.broadcast %broadcast_in_dim3A_522 : i32 to vector<16xi32>
      %gather3A_524 = tpu.vector_load_idx %arg11[%add3A_520, %broadcast_in_dim3A_523] : memref<960x32xf32, #tpu.memory_space<vmem>>[vector<16xi32>, vector<16xi32>], vector<16xf32>,
      %gather3A_525 = tpu.vector_load_idx %arg12[%add3A_520, %broadcast_in_dim3A_523] : memref<960x32xf32, #tpu.memory_space<vmem>>[vector<16xi32>, vector<16xi32>], vector<16xf32>,
      %mul3A_526 = arith.mulf %gather3A_524, %gather3A_525 : vector<16xf32>
      %add3A_527 = arith.addf %gather3A, %mul3A_526 : vector<16xf32>
      %broadcast_in_dim3A_528 = arith.constant 1 : i32
      %broadcast_in_dim3A_529 = vector.broadcast %broadcast_in_dim3A_528 : i32 to vector<16xi32>
      %gather3A_530 = tpu.vector_load_idx %arg11[%add3A_520, %broadcast_in_dim3A_529] : memref<960x32xf32, #tpu.memory_space<vmem>>[vector<16xi32>, vector<16xi32>], vector<16xf32>,
      %gather3A_531 = tpu.vector_load_idx %arg12[%add3A_520, %broadcast_in_dim3A_529] : memref<960x32xf32, #tpu.memory_space<vmem>>[vector<16xi32>, vector<16xi32>], vector<16xf32>,
      %mul3A_532 = arith.mulf %gather3A_530, %gather3A_531 : vector<16xf32>
      %add3A_533 = arith.addf %add3A_527, %mul3A_532 : vector<16xf32>
      %broadcast_in_dim3A_534 = arith.constant 2 : i32
      %broadcast_in_dim3A_535 = vector.broadcast %broadcast_in_dim3A_534 : i32 to vector<16xi32>
      %gather3A_536 = tpu.vector_load_idx %arg11[%add3A_520, %broadcast_in_dim3A_535] : memref<960x32xf32, #tpu.memory_space<vmem>>[vector<16xi32>, vector<16xi32>], vector<16xf32>,
      %gather3A_537 = tpu.vector_load_idx %arg12[%add3A_520, %broadcast_in_dim3A_535] : memref<960x32xf32, #tpu.memory_space<vmem>>[vector<16xi32>, vector<16xi32>], vector<16xf32>,
      %mul3A_538 = arith.mulf %gather3A_536, %gather3A_537 : vector<16xf32>
      %add3A_539 = arith.addf %add3A_533, %mul3A_538 : vector<16xf32>
      %broadcast_in_dim3A_540 = arith.constant 3 : i32
      %broadcast_in_dim3A_541 = vector.broadcast %broadcast_in_dim3A_540 : i32 to vector<16xi32>
      %gather3A_542 = tpu.vector_load_idx %arg11[%add3A_520, %broadcast_in_dim3A_541] : memref<960x32xf32, #tpu.memory_space<vmem>>[vector<16xi32>, vector<16xi32>], vector<16xf32>,
      %gather3A_543 = tpu.vector_load_idx %arg12[%add3A_520, %broadcast_in_dim3A_541] : memref<960x32xf32, #tpu.memory_space<vmem>>[vector<16xi32>, vector<16xi32>], vector<16xf32>,
      %mul3A_544 = arith.mulf %gather3A_542, %gather3A_543 : vector<16xf32>
      %add3A_545 = arith.addf %add3A_539, %mul3A_544 : vector<16xf32>
      %broadcast_in_dim3A_546 = arith.constant 4 : i32
      %broadcast_in_dim3A_547 = vector.broadcast %broadcast_in_dim3A_546 : i32 to vector<16xi32>
      %gather3A_548 = tpu.vector_load_idx %arg11[%add3A_520, %broadcast_in_dim3A_547] : memref<960x32xf32, #tpu.memory_space<vmem>>[vector<16xi32>, vector<16xi32>], vector<16xf32>,
      %gather3A_549 = tpu.vector_load_idx %arg12[%add3A_520, %broadcast_in_dim3A_547] : memref<960x32xf32, #tpu.memory_space<vmem>>[vector<16xi32>, vector<16xi32>], vector<16xf32>,
      %mul3A_550 = arith.mulf %gather3A_548, %gather3A_549 : vector<16xf32>
      %add3A_551 = arith.addf %add3A_545, %mul3A_550 : vector<16xf32>
      %broadcast_in_dim3A_552 = arith.constant 5 : i32
      %broadcast_in_dim3A_553 = vector.broadcast %broadcast_in_dim3A_552 : i32 to vector<16xi32>
      %gather3A_554 = tpu.vector_load_idx %arg11[%add3A_520, %broadcast_in_dim3A_553] : memref<960x32xf32, #tpu.memory_space<vmem>>[vector<16xi32>, vector<16xi32>], vector<16xf32>,
      %gather3A_555 = tpu.vector_load_idx %arg12[%add3A_520, %broadcast_in_dim3A_553] : memref<960x32xf32, #tpu.memory_space<vmem>>[vector<16xi32>, vector<16xi32>], vector<16xf32>,
      %mul3A_556 = arith.mulf %gather3A_554, %gather3A_555 : vector<16xf32>
      %add3A_557 = arith.addf %add3A_551, %mul3A_556 : vector<16xf32>
      %broadcast_in_dim3A_558 = arith.constant 6 : i32
      %broadcast_in_dim3A_559 = vector.broadcast %broadcast_in_dim3A_558 : i32 to vector<16xi32>
      %gather3A_560 = tpu.vector_load_idx %arg11[%add3A_520, %broadcast_in_dim3A_559] : memref<960x32xf32, #tpu.memory_space<vmem>>[vector<16xi32>, vector<16xi32>], vector<16xf32>,
      %gather3A_561 = tpu.vector_load_idx %arg12[%add3A_520, %broadcast_in_dim3A_559] : memref<960x32xf32, #tpu.memory_space<vmem>>[vector<16xi32>, vector<16xi32>], vector<16xf32>,
      %mul3A_562 = arith.mulf %gather3A_560, %gather3A_561 : vector<16xf32>
      %add3A_563 = arith.addf %add3A_557, %mul3A_562 : vector<16xf32>
      %broadcast_in_dim3A_564 = arith.constant 7 : i32
      %broadcast_in_dim3A_565 = vector.broadcast %broadcast_in_dim3A_564 : i32 to vector<16xi32>
      %gather3A_566 = tpu.vector_load_idx %arg11[%add3A_520, %broadcast_in_dim3A_565] : memref<960x32xf32, #tpu.memory_space<vmem>>[vector<16xi32>, vector<16xi32>], vector<16xf32>,
      %gather3A_567 = tpu.vector_load_idx %arg12[%add3A_520, %broadcast_in_dim3A_565] : memref<960x32xf32, #tpu.memory_space<vmem>>[vector<16xi32>, vector<16xi32>], vector<16xf32>,
      %mul3A_568 = arith.mulf %gather3A_566, %gather3A_567 : vector<16xf32>
      %add3A_569 = arith.addf %add3A_563, %mul3A_568 : vector<16xf32>
      %broadcast_in_dim3A_570 = arith.constant 8 : i32
      %broadcast_in_dim3A_571 = vector.broadcast %broadcast_in_dim3A_570 : i32 to vector<16xi32>
      %gather3A_572 = tpu.vector_load_idx %arg11[%add3A_520, %broadcast_in_dim3A_571] : memref<960x32xf32, #tpu.memory_space<vmem>>[vector<16xi32>, vector<16xi32>], vector<16xf32>,
      %gather3A_573 = tpu.vector_load_idx %arg12[%add3A_520, %broadcast_in_dim3A_571] : memref<960x32xf32, #tpu.memory_space<vmem>>[vector<16xi32>, vector<16xi32>], vector<16xf32>,
      %mul3A_574 = arith.mulf %gather3A_572, %gather3A_573 : vector<16xf32>
      %add3A_575 = arith.addf %add3A_569, %mul3A_574 : vector<16xf32>
      %broadcast_in_dim3A_576 = arith.constant 9 : i32
      %broadcast_in_dim3A_577 = vector.broadcast %broadcast_in_dim3A_576 : i32 to vector<16xi32>
      %gather3A_578 = tpu.vector_load_idx %arg11[%add3A_520, %broadcast_in_dim3A_577] : memref<960x32xf32, #tpu.memory_space<vmem>>[vector<16xi32>, vector<16xi32>], vector<16xf32>,
      %gather3A_579 = tpu.vector_load_idx %arg12[%add3A_520, %broadcast_in_dim3A_577] : memref<960x32xf32, #tpu.memory_space<vmem>>[vector<16xi32>, vector<16xi32>], vector<16xf32>,
      %mul3A_580 = arith.mulf %gather3A_578, %gather3A_579 : vector<16xf32>
      %add3A_581 = arith.addf %add3A_575, %mul3A_580 : vector<16xf32>
      %broadcast_in_dim3A_582 = arith.constant 10 : i32
      %broadcast_in_dim3A_583 = vector.broadcast %broadcast_in_dim3A_582 : i32 to vector<16xi32>
      %gather3A_584 = tpu.vector_load_idx %arg11[%add3A_520, %broadcast_in_dim3A_583] : memref<960x32xf32, #tpu.memory_space<vmem>>[vector<16xi32>, vector<16xi32>], vector<16xf32>,
      %gather3A_585 = tpu.vector_load_idx %arg12[%add3A_520, %broadcast_in_dim3A_583] : memref<960x32xf32, #tpu.memory_space<vmem>>[vector<16xi32>, vector<16xi32>], vector<16xf32>,
      %mul3A_586 = arith.mulf %gather3A_584, %gather3A_585 : vector<16xf32>
      %add3A_587 = arith.addf %add3A_581, %mul3A_586 : vector<16xf32>
      %broadcast_in_dim3A_588 = arith.constant 11 : i32
      %broadcast_in_dim3A_589 = vector.broadcast %broadcast_in_dim3A_588 : i32 to vector<16xi32>
      %gather3A_590 = tpu.vector_load_idx %arg11[%add3A_520, %broadcast_in_dim3A_589] : memref<960x32xf32, #tpu.memory_space<vmem>>[vector<16xi32>, vector<16xi32>], vector<16xf32>,
      %gather3A_591 = tpu.vector_load_idx %arg12[%add3A_520, %broadcast_in_dim3A_589] : memref<960x32xf32, #tpu.memory_space<vmem>>[vector<16xi32>, vector<16xi32>], vector<16xf32>,
      %mul3A_592 = arith.mulf %gather3A_590, %gather3A_591 : vector<16xf32>
      %add3A_593 = arith.addf %add3A_587, %mul3A_592 : vector<16xf32>
      %broadcast_in_dim3A_594 = arith.constant 12 : i32
      %broadcast_in_dim3A_595 = vector.broadcast %broadcast_in_dim3A_594 : i32 to vector<16xi32>
      %gather3A_596 = tpu.vector_load_idx %arg11[%add3A_520, %broadcast_in_dim3A_595] : memref<960x32xf32, #tpu.memory_space<vmem>>[vector<16xi32>, vector<16xi32>], vector<16xf32>,
      %gather3A_597 = tpu.vector_load_idx %arg12[%add3A_520, %broadcast_in_dim3A_595] : memref<960x32xf32, #tpu.memory_space<vmem>>[vector<16xi32>, vector<16xi32>], vector<16xf32>,
      %mul3A_598 = arith.mulf %gather3A_596, %gather3A_597 : vector<16xf32>
      %add3A_599 = arith.addf %add3A_593, %mul3A_598 : vector<16xf32>
      %broadcast_in_dim3A_600 = arith.constant 13 : i32
      %broadcast_in_dim3A_601 = vector.broadcast %broadcast_in_dim3A_600 : i32 to vector<16xi32>
      %gather3A_602 = tpu.vector_load_idx %arg11[%add3A_520, %broadcast_in_dim3A_601] : memref<960x32xf32, #tpu.memory_space<vmem>>[vector<16xi32>, vector<16xi32>], vector<16xf32>,
      %gather3A_603 = tpu.vector_load_idx %arg12[%add3A_520, %broadcast_in_dim3A_601] : memref<960x32xf32, #tpu.memory_space<vmem>>[vector<16xi32>, vector<16xi32>], vector<16xf32>,
      %mul3A_604 = arith.mulf %gather3A_602, %gather3A_603 : vector<16xf32>
      %add3A_605 = arith.addf %add3A_599, %mul3A_604 : vector<16xf32>
      %broadcast_in_dim3A_606 = arith.constant 14 : i32
      %broadcast_in_dim3A_607 = vector.broadcast %broadcast_in_dim3A_606 : i32 to vector<16xi32>
      %gather3A_608 = tpu.vector_load_idx %arg11[%add3A_520, %broadcast_in_dim3A_607] : memref<960x32xf32, #tpu.memory_space<vmem>>[vector<16xi32>, vector<16xi32>], vector<16xf32>,
      %gather3A_609 = tpu.vector_load_idx %arg12[%add3A_520, %broadcast_in_dim3A_607] : memref<960x32xf32, #tpu.memory_space<vmem>>[vector<16xi32>, vector<16xi32>], vector<16xf32>,
      %mul3A_610 = arith.mulf %gather3A_608, %gather3A_609 : vector<16xf32>
      %add3A_611 = arith.addf %add3A_605, %mul3A_610 : vector<16xf32>
      %broadcast_in_dim3A_612 = arith.constant 15 : i32
      %broadcast_in_dim3A_613 = vector.broadcast %broadcast_in_dim3A_612 : i32 to vector<16xi32>
      %gather3A_614 = tpu.vector_load_idx %arg11[%add3A_520, %broadcast_in_dim3A_613] : memref<960x32xf32, #tpu.memory_space<vmem>>[vector<16xi32>, vector<16xi32>], vector<16xf32>,
      %gather3A_615 = tpu.vector_load_idx %arg12[%add3A_520, %broadcast_in_dim3A_613] : memref<960x32xf32, #tpu.memory_space<vmem>>[vector<16xi32>, vector<16xi32>], vector<16xf32>,
      %mul3A_616 = arith.mulf %gather3A_614, %gather3A_615 : vector<16xf32>
      %add3A_617 = arith.addf %add3A_611, %mul3A_616 : vector<16xf32>
      %broadcast_in_dim3A_618 = arith.constant 16 : i32
      %broadcast_in_dim3A_619 = vector.broadcast %broadcast_in_dim3A_618 : i32 to vector<16xi32>
      %gather3A_620 = tpu.vector_load_idx %arg11[%add3A_520, %broadcast_in_dim3A_619] : memref<960x32xf32, #tpu.memory_space<vmem>>[vector<16xi32>, vector<16xi32>], vector<16xf32>,
      %gather3A_621 = tpu.vector_load_idx %arg12[%add3A_520, %broadcast_in_dim3A_619] : memref<960x32xf32, #tpu.memory_space<vmem>>[vector<16xi32>, vector<16xi32>], vector<16xf32>,
      %mul3A_622 = arith.mulf %gather3A_620, %gather3A_621 : vector<16xf32>
      %add3A_623 = arith.addf %add3A_617, %mul3A_622 : vector<16xf32>
      %broadcast_in_dim3A_624 = arith.constant 17 : i32
      %broadcast_in_dim3A_625 = vector.broadcast %broadcast_in_dim3A_624 : i32 to vector<16xi32>
      %gather3A_626 = tpu.vector_load_idx %arg11[%add3A_520, %broadcast_in_dim3A_625] : memref<960x32xf32, #tpu.memory_space<vmem>>[vector<16xi32>, vector<16xi32>], vector<16xf32>,
      %gather3A_627 = tpu.vector_load_idx %arg12[%add3A_520, %broadcast_in_dim3A_625] : memref<960x32xf32, #tpu.memory_space<vmem>>[vector<16xi32>, vector<16xi32>], vector<16xf32>,
      %mul3A_628 = arith.mulf %gather3A_626, %gather3A_627 : vector<16xf32>
      %add3A_629 = arith.addf %add3A_623, %mul3A_628 : vector<16xf32>
      %broadcast_in_dim3A_630 = arith.constant 18 : i32
      %broadcast_in_dim3A_631 = vector.broadcast %broadcast_in_dim3A_630 : i32 to vector<16xi32>
      %gather3A_632 = tpu.vector_load_idx %arg11[%add3A_520, %broadcast_in_dim3A_631] : memref<960x32xf32, #tpu.memory_space<vmem>>[vector<16xi32>, vector<16xi32>], vector<16xf32>,
      %gather3A_633 = tpu.vector_load_idx %arg12[%add3A_520, %broadcast_in_dim3A_631] : memref<960x32xf32, #tpu.memory_space<vmem>>[vector<16xi32>, vector<16xi32>], vector<16xf32>,
      %mul3A_634 = arith.mulf %gather3A_632, %gather3A_633 : vector<16xf32>
      %add3A_635 = arith.addf %add3A_629, %mul3A_634 : vector<16xf32>
      %broadcast_in_dim3A_636 = arith.constant 19 : i32
      %broadcast_in_dim3A_637 = vector.broadcast %broadcast_in_dim3A_636 : i32 to vector<16xi32>
      %gather3A_638 = tpu.vector_load_idx %arg11[%add3A_520, %broadcast_in_dim3A_637] : memref<960x32xf32, #tpu.memory_space<vmem>>[vector<16xi32>, vector<16xi32>], vector<16xf32>,
      %gather3A_639 = tpu.vector_load_idx %arg12[%add3A_520, %broadcast_in_dim3A_637] : memref<960x32xf32, #tpu.memory_space<vmem>>[vector<16xi32>, vector<16xi32>], vector<16xf32>,
      %mul3A_640 = arith.mulf %gather3A_638, %gather3A_639 : vector<16xf32>
      %add3A_641 = arith.addf %add3A_635, %mul3A_640 : vector<16xf32>
      %broadcast_in_dim3A_642 = arith.constant 20 : i32
      %broadcast_in_dim3A_643 = vector.broadcast %broadcast_in_dim3A_642 : i32 to vector<16xi32>
      %gather3A_644 = tpu.vector_load_idx %arg11[%add3A_520, %broadcast_in_dim3A_643] : memref<960x32xf32, #tpu.memory_space<vmem>>[vector<16xi32>, vector<16xi32>], vector<16xf32>,
      %gather3A_645 = tpu.vector_load_idx %arg12[%add3A_520, %broadcast_in_dim3A_643] : memref<960x32xf32, #tpu.memory_space<vmem>>[vector<16xi32>, vector<16xi32>], vector<16xf32>,
      %mul3A_646 = arith.mulf %gather3A_644, %gather3A_645 : vector<16xf32>
      %add3A_647 = arith.addf %add3A_641, %mul3A_646 : vector<16xf32>
      %broadcast_in_dim3A_648 = arith.constant 21 : i32
      %broadcast_in_dim3A_649 = vector.broadcast %broadcast_in_dim3A_648 : i32 to vector<16xi32>
      %gather3A_650 = tpu.vector_load_idx %arg11[%add3A_520, %broadcast_in_dim3A_649] : memref<960x32xf32, #tpu.memory_space<vmem>>[vector<16xi32>, vector<16xi32>], vector<16xf32>,
      %gather3A_651 = tpu.vector_load_idx %arg12[%add3A_520, %broadcast_in_dim3A_649] : memref<960x32xf32, #tpu.memory_space<vmem>>[vector<16xi32>, vector<16xi32>], vector<16xf32>,
      %mul3A_652 = arith.mulf %gather3A_650, %gather3A_651 : vector<16xf32>
      %add3A_653 = arith.addf %add3A_647, %mul3A_652 : vector<16xf32>
      %broadcast_in_dim3A_654 = arith.constant 22 : i32
      %broadcast_in_dim3A_655 = vector.broadcast %broadcast_in_dim3A_654 : i32 to vector<16xi32>
      %gather3A_656 = tpu.vector_load_idx %arg11[%add3A_520, %broadcast_in_dim3A_655] : memref<960x32xf32, #tpu.memory_space<vmem>>[vector<16xi32>, vector<16xi32>], vector<16xf32>,
      %gather3A_657 = tpu.vector_load_idx %arg12[%add3A_520, %broadcast_in_dim3A_655] : memref<960x32xf32, #tpu.memory_space<vmem>>[vector<16xi32>, vector<16xi32>], vector<16xf32>,
      %mul3A_658 = arith.mulf %gather3A_656, %gather3A_657 : vector<16xf32>
      %add3A_659 = arith.addf %add3A_653, %mul3A_658 : vector<16xf32>
      %broadcast_in_dim3A_660 = arith.constant 23 : i32
      %broadcast_in_dim3A_661 = vector.broadcast %broadcast_in_dim3A_660 : i32 to vector<16xi32>
      %gather3A_662 = tpu.vector_load_idx %arg11[%add3A_520, %broadcast_in_dim3A_661] : memref<960x32xf32, #tpu.memory_space<vmem>>[vector<16xi32>, vector<16xi32>], vector<16xf32>,
      %gather3A_663 = tpu.vector_load_idx %arg12[%add3A_520, %broadcast_in_dim3A_661] : memref<960x32xf32, #tpu.memory_space<vmem>>[vector<16xi32>, vector<16xi32>], vector<16xf32>,
      %mul3A_664 = arith.mulf %gather3A_662, %gather3A_663 : vector<16xf32>
      %add3A_665 = arith.addf %add3A_659, %mul3A_664 : vector<16xf32>
      %broadcast_in_dim3A_666 = arith.constant 24 : i32
      %broadcast_in_dim3A_667 = vector.broadcast %broadcast_in_dim3A_666 : i32 to vector<16xi32>
      %gather3A_668 = tpu.vector_load_idx %arg11[%add3A_520, %broadcast_in_dim3A_667] : memref<960x32xf32, #tpu.memory_space<vmem>>[vector<16xi32>, vector<16xi32>], vector<16xf32>,
      %gather3A_669 = tpu.vector_load_idx %arg12[%add3A_520, %broadcast_in_dim3A_667] : memref<960x32xf32, #tpu.memory_space<vmem>>[vector<16xi32>, vector<16xi32>], vector<16xf32>,
      %mul3A_670 = arith.mulf %gather3A_668, %gather3A_669 : vector<16xf32>
      %add3A_671 = arith.addf %add3A_665, %mul3A_670 : vector<16xf32>
      %broadcast_in_dim3A_672 = arith.constant 25 : i32
      %broadcast_in_dim3A_673 = vector.broadcast %broadcast_in_dim3A_672 : i32 to vector<16xi32>
      %gather3A_674 = tpu.vector_load_idx %arg11[%add3A_520, %broadcast_in_dim3A_673] : memref<960x32xf32, #tpu.memory_space<vmem>>[vector<16xi32>, vector<16xi32>], vector<16xf32>,
      %gather3A_675 = tpu.vector_load_idx %arg12[%add3A_520, %broadcast_in_dim3A_673] : memref<960x32xf32, #tpu.memory_space<vmem>>[vector<16xi32>, vector<16xi32>], vector<16xf32>,
      %mul3A_676 = arith.mulf %gather3A_674, %gather3A_675 : vector<16xf32>
      %add3A_677 = arith.addf %add3A_671, %mul3A_676 : vector<16xf32>
      %broadcast_in_dim3A_678 = arith.constant 26 : i32
      %broadcast_in_dim3A_679 = vector.broadcast %broadcast_in_dim3A_678 : i32 to vector<16xi32>
      %gather3A_680 = tpu.vector_load_idx %arg11[%add3A_520, %broadcast_in_dim3A_679] : memref<960x32xf32, #tpu.memory_space<vmem>>[vector<16xi32>, vector<16xi32>], vector<16xf32>,
      %gather3A_681 = tpu.vector_load_idx %arg12[%add3A_520, %broadcast_in_dim3A_679] : memref<960x32xf32, #tpu.memory_space<vmem>>[vector<16xi32>, vector<16xi32>], vector<16xf32>,
      %mul3A_682 = arith.mulf %gather3A_680, %gather3A_681 : vector<16xf32>
      %add3A_683 = arith.addf %add3A_677, %mul3A_682 : vector<16xf32>
      %broadcast_in_dim3A_684 = arith.constant 27 : i32
      %broadcast_in_dim3A_685 = vector.broadcast %broadcast_in_dim3A_684 : i32 to vector<16xi32>
      %gather3A_686 = tpu.vector_load_idx %arg11[%add3A_520, %broadcast_in_dim3A_685] : memref<960x32xf32, #tpu.memory_space<vmem>>[vector<16xi32>, vector<16xi32>], vector<16xf32>,
      %gather3A_687 = tpu.vector_load_idx %arg12[%add3A_520, %broadcast_in_dim3A_685] : memref<960x32xf32, #tpu.memory_space<vmem>>[vector<16xi32>, vector<16xi32>], vector<16xf32>,
      %mul3A_688 = arith.mulf %gather3A_686, %gather3A_687 : vector<16xf32>
      %add3A_689 = arith.addf %add3A_683, %mul3A_688 : vector<16xf32>
      %broadcast_in_dim3A_690 = arith.constant 28 : i32
      %broadcast_in_dim3A_691 = vector.broadcast %broadcast_in_dim3A_690 : i32 to vector<16xi32>
      %gather3A_692 = tpu.vector_load_idx %arg11[%add3A_520, %broadcast_in_dim3A_691] : memref<960x32xf32, #tpu.memory_space<vmem>>[vector<16xi32>, vector<16xi32>], vector<16xf32>,
      %gather3A_693 = tpu.vector_load_idx %arg12[%add3A_520, %broadcast_in_dim3A_691] : memref<960x32xf32, #tpu.memory_space<vmem>>[vector<16xi32>, vector<16xi32>], vector<16xf32>,
      %mul3A_694 = arith.mulf %gather3A_692, %gather3A_693 : vector<16xf32>
      %add3A_695 = arith.addf %add3A_689, %mul3A_694 : vector<16xf32>
      %broadcast_in_dim3A_696 = arith.constant 29 : i32
      %broadcast_in_dim3A_697 = vector.broadcast %broadcast_in_dim3A_696 : i32 to vector<16xi32>
      %gather3A_698 = tpu.vector_load_idx %arg11[%add3A_520, %broadcast_in_dim3A_697] : memref<960x32xf32, #tpu.memory_space<vmem>>[vector<16xi32>, vector<16xi32>], vector<16xf32>,
      %gather3A_699 = tpu.vector_load_idx %arg12[%add3A_520, %broadcast_in_dim3A_697] : memref<960x32xf32, #tpu.memory_space<vmem>>[vector<16xi32>, vector<16xi32>], vector<16xf32>,
      %mul3A_700 = arith.mulf %gather3A_698, %gather3A_699 : vector<16xf32>
      %add3A_701 = arith.addf %add3A_695, %mul3A_700 : vector<16xf32>
      %broadcast_in_dim3A_702 = arith.constant 30 : i32
      %broadcast_in_dim3A_703 = vector.broadcast %broadcast_in_dim3A_702 : i32 to vector<16xi32>
      %gather3A_704 = tpu.vector_load_idx %arg11[%add3A_520, %broadcast_in_dim3A_703] : memref<960x32xf32, #tpu.memory_space<vmem>>[vector<16xi32>, vector<16xi32>], vector<16xf32>,
      %gather3A_705 = tpu.vector_load_idx %arg12[%add3A_520, %broadcast_in_dim3A_703] : memref<960x32xf32, #tpu.memory_space<vmem>>[vector<16xi32>, vector<16xi32>], vector<16xf32>,
      %mul3A_706 = arith.mulf %gather3A_704, %gather3A_705 : vector<16xf32>
      %add3A_707 = arith.addf %add3A_701, %mul3A_706 : vector<16xf32>
      %broadcast_in_dim3A_708 = arith.constant 31 : i32
      %broadcast_in_dim3A_709 = vector.broadcast %broadcast_in_dim3A_708 : i32 to vector<16xi32>
      %gather3A_710 = tpu.vector_load_idx %arg11[%add3A_520, %broadcast_in_dim3A_709] : memref<960x32xf32, #tpu.memory_space<vmem>>[vector<16xi32>, vector<16xi32>], vector<16xf32>,
      %gather3A_711 = tpu.vector_load_idx %arg12[%add3A_520, %broadcast_in_dim3A_709] : memref<960x32xf32, #tpu.memory_space<vmem>>[vector<16xi32>, vector<16xi32>], vector<16xf32>,
      %mul3A_712 = arith.mulf %gather3A_710, %gather3A_711 : vector<16xf32>
      %add3A_713 = arith.addf %add3A_707, %mul3A_712 : vector<16xf32>
      %broadcast_in_dim3A_714 = arith.constant 0 : i32
      %broadcast_in_dim3A_715 = vector.broadcast %broadcast_in_dim3A_714 : i32 to vector<16xi32>
      %gather3A_716 = tpu.vector_load_idx %arg14[%add3A_520, %broadcast_in_dim3A_715] : memref<960x4xf32, #tpu.memory_space<vmem>>[vector<16xi32>, vector<16xi32>], vector<16xf32>,
      %sub3A = arith.subf %add3A_713, %gather3A_716 : vector<16xf32>
      %exp3A = math.exp %sub3A : vector<16xf32>
      %add3A_717 = arith.constant 1.000000e+00 : f32
      %add3A_718 = vector.broadcast %add3A_717 : f32 to vector<16xf32>
      %add3A_719 = arith.addf %add3A_718, %exp3A : vector<16xf32>
      %div3A = arith.constant 1.000000e+00 : f32
      %div3A_720 = vector.broadcast %div3A : f32 to vector<16xf32>
      %div3A_721 = arith.divf %div3A_720, %add3A_719 : vector<16xf32>
      %broadcast_in_dim3A_722 = arith.constant 1 : i32
      %broadcast_in_dim3A_723 = vector.broadcast %broadcast_in_dim3A_722 : i32 to vector<16xi32>
      %gather3A_724 = tpu.vector_load_idx %arg14[%add3A_520, %broadcast_in_dim3A_723] : memref<960x4xf32, #tpu.memory_space<vmem>>[vector<16xi32>, vector<16xi32>], vector<16xf32>,
      %exp3A_725 = math.exp %gather3A_724 : vector<16xf32>
      %add3A_726 = arith.addf %gather3A_716, %exp3A_725 : vector<16xf32>
      %sub3A_727 = arith.subf %add3A_713, %add3A_726 : vector<16xf32>
      %exp3A_728 = math.exp %sub3A_727 : vector<16xf32>
      %add3A_729 = arith.constant 1.000000e+00 : f32
      %add3A_730 = vector.broadcast %add3A_729 : f32 to vector<16xf32>
      %add3A_731 = arith.addf %add3A_730, %exp3A_728 : vector<16xf32>
      %div3A_732 = arith.constant 1.000000e+00 : f32
      %div3A_733 = vector.broadcast %div3A_732 : f32 to vector<16xf32>
      %div3A_734 = arith.divf %div3A_733, %add3A_731 : vector<16xf32>
      %broadcast_in_dim3A_735 = arith.constant 2 : i32
      %broadcast_in_dim3A_736 = vector.broadcast %broadcast_in_dim3A_735 : i32 to vector<16xi32>
      %gather3A_737 = tpu.vector_load_idx %arg14[%add3A_520, %broadcast_in_dim3A_736] : memref<960x4xf32, #tpu.memory_space<vmem>>[vector<16xi32>, vector<16xi32>], vector<16xf32>,
      %exp3A_738 = math.exp %gather3A_737 : vector<16xf32>
      %add3A_739 = arith.addf %add3A_726, %exp3A_738 : vector<16xf32>
      %sub3A_740 = arith.subf %add3A_713, %add3A_739 : vector<16xf32>
      %exp3A_741 = math.exp %sub3A_740 : vector<16xf32>
      %add3A_742 = arith.constant 1.000000e+00 : f32
      %add3A_743 = vector.broadcast %add3A_742 : f32 to vector<16xf32>
      %add3A_744 = arith.addf %add3A_743, %exp3A_741 : vector<16xf32>
      %div3A_745 = arith.constant 1.000000e+00 : f32
      %div3A_746 = vector.broadcast %div3A_745 : f32 to vector<16xf32>
      %div3A_747 = arith.divf %div3A_746, %add3A_744 : vector<16xf32>
      %broadcast_in_dim3A_748 = arith.constant 3 : i32
      %broadcast_in_dim3A_749 = vector.broadcast %broadcast_in_dim3A_748 : i32 to vector<16xi32>
      %gather3A_750 = tpu.vector_load_idx %arg14[%add3A_520, %broadcast_in_dim3A_749] : memref<960x4xf32, #tpu.memory_space<vmem>>[vector<16xi32>, vector<16xi32>], vector<16xf32>,
      %exp3A_751 = math.exp %gather3A_750 : vector<16xf32>
      %add3A_752 = arith.addf %add3A_739, %exp3A_751 : vector<16xf32>
      %sub3A_753 = arith.subf %add3A_713, %add3A_752 : vector<16xf32>
      %exp3A_754 = math.exp %sub3A_753 : vector<16xf32>
      %add3A_755 = arith.constant 1.000000e+00 : f32
      %add3A_756 = vector.broadcast %add3A_755 : f32 to vector<16xf32>
      %add3A_757 = arith.addf %add3A_756, %exp3A_754 : vector<16xf32>
      %div3A_758 = arith.constant 1.000000e+00 : f32
      %div3A_759 = vector.broadcast %div3A_758 : f32 to vector<16xf32>
      %div3A_760 = arith.divf %div3A_759, %add3A_757 : vector<16xf32>
      %sub3A_761 = arith.subf %div3A_734, %div3A_721 : vector<16xf32>
      %sub3A_762 = arith.subf %div3A_747, %div3A_734 : vector<16xf32>
      %sub3A_763 = arith.subf %div3A_760, %div3A_747 : vector<16xf32>
      %sub3A_764 = arith.constant 1.000000e+00 : f32
      %sub3A_765 = vector.broadcast %sub3A_764 : f32 to vector<16xf32>
      %sub3A_766 = arith.subf %sub3A_765, %div3A_760 : vector<16xf32>
      %broadcast_in_dim3A_767 = arith.constant 0 : i32
      %broadcast_in_dim3A_768 = vector.broadcast %broadcast_in_dim3A_767 : i32 to vector<16xi32>
      tpu.vector_store_idx %arg15[%add3A_520, %broadcast_in_dim3A_768], %div3A_721 : memref<512x5xf32, #tpu.memory_space<vmem>>[vector<16xi32>, vector<16xi32>], vector<16xf32>,
      %broadcast_in_dim3A_769 = arith.constant 1 : i32
      %broadcast_in_dim3A_770 = vector.broadcast %broadcast_in_dim3A_769 : i32 to vector<16xi32>
      tpu.vector_store_idx %arg15[%add3A_520, %broadcast_in_dim3A_770], %sub3A_761 : memref<512x5xf32, #tpu.memory_space<vmem>>[vector<16xi32>, vector<16xi32>], vector<16xf32>,
      %broadcast_in_dim3A_771 = arith.constant 2 : i32
      %broadcast_in_dim3A_772 = vector.broadcast %broadcast_in_dim3A_771 : i32 to vector<16xi32>
      tpu.vector_store_idx %arg15[%add3A_520, %broadcast_in_dim3A_772], %sub3A_762 : memref<512x5xf32, #tpu.memory_space<vmem>>[vector<16xi32>, vector<16xi32>], vector<16xf32>,
      %broadcast_in_dim3A_773 = arith.constant 3 : i32
      %broadcast_in_dim3A_774 = vector.broadcast %broadcast_in_dim3A_773 : i32 to vector<16xi32>
      tpu.vector_store_idx %arg15[%add3A_520, %broadcast_in_dim3A_774], %sub3A_763 : memref<512x5xf32, #tpu.memory_space<vmem>>[vector<16xi32>, vector<16xi32>], vector<16xf32>,
      %broadcast_in_dim3A_775 = arith.constant 4 : i32
      %broadcast_in_dim3A_776 = vector.broadcast %broadcast_in_dim3A_775 : i32 to vector<16xi32>
      tpu.vector_store_idx %arg15[%add3A_520, %broadcast_in_dim3A_776], %sub3A_766 : memref<512x5xf32, #tpu.memory_space<vmem>>[vector<16xi32>, vector<16xi32>], vector<16xf32>,
    }
    %scan3A_515 = arith.constant 32 : i32
    "tpu.region"() ({
      %run_scoped3A = tpu.sem_alloc : memref<!tpu.dma_semaphore, #tpu.memory_space<semaphore_mem>>
      %dma_start3A_516 = arith.constant 0 : i32
      %dma_start3A_517 = arith.constant 0 : i32
      %dma_start3A_518 = tpu.memref_slice %arg8[%add3A, %dma_start3A_516, %dma_start3A_517] : memref<32x512x5xf32, #tpu.memory_space<hbm>> -> memref<1x512x5xf32, #tpu.memory_space<hbm>>
      %dma_start3A_519 = tpu.memref_squeeze %dma_start3A_518 : memref<1x512x5xf32, #tpu.memory_space<hbm>> -> memref<512x5xf32, #tpu.memory_space<hbm>>
      %dma_start3A_520 = arith.constant 0 : i32
      %dma_start3A_521 = arith.constant 0 : i32
      %dma_start3A_522 = tpu.memref_slice %arg8[%add3A, %dma_start3A_520, %dma_start3A_521] : memref<32x512x5xf32, #tpu.memory_space<hbm>> -> memref<1x512x5xf32, #tpu.memory_space<hbm>>
      %dma_start3A_523 = tpu.memref_squeeze %dma_start3A_522 : memref<1x512x5xf32, #tpu.memory_space<hbm>> -> memref<512x5xf32, #tpu.memory_space<hbm>>
      tpu.enqueue_dma source(%arg15 : memref<512x5xf32, #tpu.memory_space<vmem>>) target(%dma_start3A_523 : memref<512x5xf32, #tpu.memory_space<hbm>>) target_semaphore(%run_scoped3A : memref<!tpu.dma_semaphore, #tpu.memory_space<semaphore_mem>>)
      %dma_wait3A_524 = arith.constant 0 : i32
      %dma_wait3A_525 = arith.constant 0 : i32
      %dma_wait3A_526 = tpu.memref_slice %arg8[%add3A, %dma_wait3A_524, %dma_wait3A_525] : memref<32x512x5xf32, #tpu.memory_space<hbm>> -> memref<1x512x5xf32, #tpu.memory_space<hbm>>
      %dma_wait3A_527 = tpu.memref_squeeze %dma_wait3A_526 : memref<1x512x5xf32, #tpu.memory_space<hbm>> -> memref<512x5xf32, #tpu.memory_space<hbm>>
      %dma_wait3A_528 = arith.constant 0 : i32
      %dma_wait3A_529 = arith.constant 0 : i32
      %dma_wait3A_530 = tpu.memref_slice %arg8[%add3A, %dma_wait3A_528, %dma_wait3A_529] : memref<32x512x5xf32, #tpu.memory_space<hbm>> -> memref<1x512x5xf32, #tpu.memory_space<hbm>>
      %dma_wait3A_531 = tpu.memref_squeeze %dma_wait3A_530 : memref<1x512x5xf32, #tpu.memory_space<hbm>> -> memref<512x5xf32, #tpu.memory_space<hbm>>
      tpu.wait_dma2 semaphore(%run_scoped3A : memref<!tpu.dma_semaphore, #tpu.memory_space<semaphore_mem>>) src(%arg15 : memref<512x5xf32, #tpu.memory_space<vmem>>) dst(%dma_wait3A_531 : memref<512x5xf32, #tpu.memory_space<hbm>>)
      tpu.yield
    }) : () -> ()
    return
  }
}

</mosaic_0001>

<sc_bundles>
// kernel: kernel.3.cloned.1.call-start
scs
__scs_entry_jumppad:
0x0: {  	(pc) =	sbr.rel $0x88, $3  }
0x1: {  	(tag) =	ssettag $0x0;
	lr =	simm.s32 $0x1  }
0x2: {  	[smem:$0x3F9B] =	sst lr;
	_ =	strace $0xD0000000  }
0x3: {  	_ = 	snop  }
0x4: {  	_ = 	snop  }
0x5: {  	_ = 	snop  }
0x6: {  	_ = 	snop  }
0x7: {  	_ = 	snop  }
__scs_overlays_trampoline_lowered:
0x8: {  	[smem:$0x3FAA] =	sst s0  }
0x9: {  	[smem:$0x3FAB] =	sst s1  }
0xa: {  	[smem:$0x3FAC] =	sst s2  }
0xb: {  	[smem:$0x3FAD] =	sst s3  }
0xc: {  	[smem:$0x3FAE] =	sst s4  }
0xd: {  	[smem:$0x3FAF] =	sst s5  }
0xe: {  	[smem:$0x3FB0] =	sst s6  }
0xf: {  	[smem:$0x3FB1] =	sst s7  }
0x10: {  	[smem:$0x3FB2] =	sst s8  }
0x11: {  	[smem:$0x3FB3] =	sst s9;
	s0 =	simm.s32 @!p0 $0x0  }
0x12: {  	s1 =	sld [smem:$0x3F99];
	s0 =	simm.s32 @p0 $0x1  }
0x13: {  	[smem:$0x3FB4] =	sst s0;
	s0 =	simm.s32 @!p1 $0x0  }
0x14: {  	s2 =	sld [smem:$0x3F98];
	s0 =	simm.s32 @p1 $0x1  }
0x15: {  	[smem:$0x3FB5] =	sst s0;
	s0 =	simm.s32 @!p2 $0x0  }
0x16: {  	s3 =	sld [smem:$0x3FDB];
	s0 =	simm.s32 @p2 $0x1  }
0x17: {  	s4 =	simm.s32 $0x1BF5;
	[smem:$0x3FB7] =	sst s0  }
0x18: {  	s0 =	sld [smem:$0x3F9A];
	_ =	swait.ge [sflag:s4], $0x0  }
0x19: {  	s7 =	sld [smem:$0x3F9B]  }
0x1a: {  	s8 =	sadd.s32 $0xFFFFE003, lr  }
0x1b: {  	s9 =	sadd.s32 $0xFFFFFEF7, lr;
	s5 =	simm.s32 $0xFFFFFFFF;
	p2 =	slt.u32 s8, $0xFFFFF086  }
0x1c: {  	p1 =	slt.u32 s9, $0xF7A;
	s5 =	simm.s32 @!p2 $0x0  }
0x1d: {  	s5 =	simm.s32 @p1 $0x1;
	p0 =	seq.s32 s7, s2  }
0x1e: {  	s7 =	smul.u32 @!p0 $0xF7A, s2;
	p2 =	seq.s32 @!p0 s5, $0x0  }
0x1f: {  	s9 =	smul.u32 $0xF7A, s1;
	s8 =	simm.s32 @!p0 $0x1BF5;
	p2 =	por !p2, p0  }
0x20: {  	[sflag:s8] =	ssyncset.s32 @!p0 $0xFFFFF086;
	s6 =	sadd.s32 @!p0 s3, s7;
	s7 =	simm.s32 @!p0 $0x108  }
0x21: {  	s3 =	sadd.s32 s3, s9;
	s6 =	sadd.s32 @!p0 $0x88, s6;
	s7 =	simm.s32 @p2 $0x1082  }
0x22: {  	[simem:s7], [sflag:s8] =	dma.local @!p0 [hbm:s6], $0xF7A  }
0x23: {  	s9 =	sor.u32 $0xD0000000, s2;
	s6 =	simm.s32 $0x108;
	_ =	swait.ge @!p0 [sflag:s8], $0x0  }
0x24: {  	s3 =	sadd.s32 $0x88, s3;
	s6 =	simm.s32 @!p1 $0x1082;
	[sflag:s4] =	ssyncset.s32 $0xFFFFF086  }
0x25: {  	[simem:s6], [sflag:s4] =	dma.local [hbm:s3], $0xF7A  }
0x26: {  	[smem:$0x3F9B] =	sst s1;
	(tag) =	ssettag s2;
	_ =	strace s9  }
0x27: {  	s1 =	sld [smem:$0x3FAB]  }
0x28: {  	s2 =	sld [smem:$0x3FAC]  }
0x29: {  	s4 =	sld [smem:$0x3FAE]  }
0x2a: {  	p0 =	seq.s32 s5, $0x0;
	s5 =	sld [smem:$0x3FAF]  }
0x2b: {  	s6 =	sld [smem:$0x3FB0]  }
0x2c: {  	s7 =	sld [smem:$0x3FB1]  }
0x2d: {  	s3 =	simm.s32 $0x108;
	s8 =	sld [smem:$0x3FB2]  }
0x2e: {  	s3 =	simm.s32 @!p0 $0x1082;
	s9 =	sld [smem:$0x3FB3]  }
0x2f: {  	lr =	sadd.s32 s0, s3;
	s0 =	sld [smem:$0x3FAA]  }
0x30: {  	s3 =	sld [smem:$0x3FAD]  }
0x31: {  	[smem:$0x3FB6] =	sst s10  }
0x32: {  	s10 =	sld [smem:$0x3FB4];
	_ =	sdelay $0x3  }
0x33: {  	p0 =	seq.s32 s10, $0x1;
	s10 =	sld [smem:$0x3FB6];
	_ =	sdelay $0x3  }
0x34: {  	[smem:$0x3FB6] =	sst s10  }
0x35: {  	s10 =	sld [smem:$0x3FB5];
	_ =	sdelay $0x3  }
0x36: {  	p1 =	seq.s32 s10, $0x1;
	s10 =	sld [smem:$0x3FB6];
	_ =	sdelay $0x3  }
0x37: {  	[smem:$0x3FB6] =	sst s10  }
0x38: {  	s10 =	sld [smem:$0x3FB7]  }
0x39: {  	_ = 	snop;
	(pc) =	sbr.ind lr, $3  }
0x3a: {  	_ = 	snop  }
0x3b: {  	_ = 	snop  }
0x3c: {  	p2 =	seq.s32 s10, $0x1;
	s10 =	sld [smem:$0x3FB6]  }
0x3d: {  	_ =	shalt  }
0x3e: {  	_ =	shalt  }
0x3f: {  	_ =	shalt  }
0x40: {  	_ =	shalt  }
0x41: {  	_ =	shalt  }
0x42: {  	_ =	shalt  }
0x43: {  	_ =	shalt  }
0x44: {  	_ =	shalt  }
0x45: {  	_ =	shalt  }
0x46: {  	_ =	shalt  }
0x47: {  	_ =	shalt  }
0x48: {  	_ =	shalt  }
0x49: {  	_ =	shalt  }
0x4a: {  	_ =	shalt  }
0x4b: {  	_ =	shalt  }
0x4c: {  	_ =	shalt  }
0x4d: {  	_ =	shalt  }
0x4e: {  	_ =	shalt  }
0x4f: {  	_ =	shalt  }
0x50: {  	_ =	shalt  }
0x51: {  	_ =	shalt  }
0x52: {  	_ =	shalt  }
0x53: {  	_ =	shalt  }
0x54: {  	_ =	shalt  }
0x55: {  	_ =	shalt  }
0x56: {  	_ =	shalt  }
0x57: {  	_ =	shalt  }
0x58: {  	_ =	shalt  }
0x59: {  	_ =	shalt  }
0x5a: {  	_ =	shalt  }
0x5b: {  	_ =	shalt  }
0x5c: {  	_ =	shalt  }
0x5d: {  	_ =	shalt  }
0x5e: {  	_ =	shalt  }
0x5f: {  	_ =	shalt  }
0x60: {  	_ =	shalt  }
0x61: {  	_ =	shalt  }
0x62: {  	_ =	shalt  }
0x63: {  	_ =	shalt  }
0x64: {  	_ =	shalt  }
0x65: {  	_ =	shalt  }
0x66: {  	_ =	shalt  }
0x67: {  	_ =	shalt  }
0x68: {  	_ =	shalt  }
0x69: {  	_ =	shalt  }
0x6a: {  	_ =	shalt  }
0x6b: {  	_ =	shalt  }
0x6c: {  	_ =	shalt  }
0x6d: {  	_ =	shalt  }
0x6e: {  	_ =	shalt  }
0x6f: {  	_ =	shalt  }
0x70: {  	_ =	shalt  }
0x71: {  	_ =	shalt  }
0x72: {  	_ =	shalt  }
0x73: {  	_ =	shalt  }
0x74: {  	_ =	shalt  }
0x75: {  	_ =	shalt  }
0x76: {  	_ =	shalt  }
0x77: {  	_ =	shalt  }
0x78: {  	_ =	shalt  }
0x79: {  	_ =	shalt  }
0x7a: {  	_ =	shalt  }
0x7b: {  	_ =	shalt  }
0x7c: {  	_ =	shalt  }
0x7d: {  	_ =	shalt  }
0x7e: {  	_ =	shalt  }
0x7f: {  	_ =	shalt  }
0x80: {  	_ =	shalt  }
0x81: {  	_ =	shalt  }
0x82: {  	_ =	shalt  }
0x83: {  	_ =	shalt  }
0x84: {  	_ =	shalt  }
0x85: {  	_ =	shalt  }
0x86: {  	_ =	shalt  }
0x87: {  	_ =	shalt  }
.Lfunc_end0:
.L_simem_size_0:
called_computation_lowered:
.L_overlay_start_0:
0x88: {  	s2 =	sld [smem:$0x3FD9]  }
0x89: {  	s3 =	sld [smem:$0x3FFE];
	_ =	sdelay $0x1  }
0x8a: {  	s1 =	srdreg.scid  }
0x8b: {  	s0 =	sand.u32 $0x1, s1  }
0x8c: {  	s17 =	sshll.u32 s0, $0xA;
	s2 =	sadd.s32 s3, s2  }
0x8d: {  	s2 =	sadd.s32 s2, s17  }
0x8e: {  	[smem:$0x3FC2] =	sst s2  }
0x8f: {  	_ = 	snop  }
0x90: {  	s2 =	sld [smem:$0x3FD0];
	(tm) =	ssettm $0x1  }
0x91: {  	s18 =	sld [smem:$0x3FFB];
	_ =	sdelay $0x3  }
0x92: {  	_ =	strace s18  }
0x93: {  	s3 =	sld [smem:$0x3FFC];
	_ =	sdelay $0x3  }
0x94: {  	_ =	strace s3  }
0x95: {  	s3 =	sld [smem:$0x3FFD];
	_ =	sdelay $0x3  }
0x96: {  	_ =	strace s3  }
0x97: {  	_ =	strace $0x8FFFFFFF  }
0x98: {  	s19 =	sld [smem:$0x3FDB];
	_ =	sdelay $0x1  }
0x99: {  	s4 =	simm.s32 $_scs_section_size  }
0x9a: {  	s5 =	simm.s32 $_size__tile_overlayer_lowered;
	s6 =	simm.s32 $_tile_overlayer_lowered  }
0x9b: {  	s22 =	simm.s32 $0x1BFF;
	s21 =	sshll.u32 s6, $0x1;
	s3 =	sadd.s32 s4, s19  }
0x9c: {  	s7 =	simm.s32 $0x0;
	s20 =	sshll.u32 s5, $0x1;
	s5 =	sadd.s32 s21, s3  }
0x9d: {  	[timem:s7], [sflag:s22] =	dma.local [hbm:s5], s20  }
0x9e: {  	_ =	swait.ge [sflag:s22], s20  }
0x9f: {  	s4 =	ssub.s32 $0x0, s20;
	[sflag:s22] =	ssyncset.done $0x0  }
0xa0: {  	[sflag:s22] =	ssyncadd.s32 s4;
	_ =	sdelay $0x1  }
0xa1: {  	s23 =	simm.s32 $0x1B8B  }
0xa2: {  	_ =	swait.ge [sflag:s23], $0x1  }
0xa3: {  	[sflag:s23] =	ssyncset.done $0x0  }
0xa4: {  	s25 =	simm.s32 $0x1B8E;
	s24 =	sld [smem:$0x3FFE];
	[sflag:s23] =	ssyncadd.s32 $0xFFFFFFFF  }
0xa5: {  	s26 =	simm.s32 $execute0_lowered;
	[smem:$0x3FD2] =	sst s25  }
0xa6: {  	s5 =	sshll.u32 s26, $0x1;
	_ =	strace $0x80000046;
	[dreg:$0x1] =	wrdreg $0xFFFFFFFF  }
0xa7: {  	s28 =	simm.s32 $_size_execute0_lowered;
	s3 =	sadd.s32 s3, s5;
	[dreg:$0x0] =	wrdreg $0x0  }
0xa8: {  	s5 =	sshll.u32 s28, $0x1;
	[dreg:$0x2] =	wrdreg s3  }
0xa9: {  	[dreg:$0x3] =	wrdreg s5  }
0xaa: {  	[dreg:$0x4] =	wrdreg $0xC0  }
0xab: {  	_ =	task [dreg:s7], $0x5FFFF  }
0xac: {  	[dreg:$0x1] =	wrdreg $0xFFFFFFFF  }
0xad: {  	[dreg:$0x0] =	wrdreg $0x60  }
0xae: {  	[dreg:$0x2] =	wrdreg s24  }
0xaf: {  	[dreg:$0x3] =	wrdreg s2  }
0xb0: {  	[dreg:$0x4] =	wrdreg $0x9  }
0xb1: {  	_ =	task.clear_ibuf [dreg:s7], $0x5FFFF;
	_ =	strace $0x90000046  }
0xb2: {  	s29 =	simm.s32 $0x9;
	_ =	strace $0x80000048  }
0xb3: {  	_ =	swait.ge [sflag:s29], $0x1  }
0xb4: {  	[sflag:s29] =	ssyncadd.s32 $0xFFFFFFFF  }
0xb5: {  	_ =	strace $0x90000048  }
0xb6: {  	_ =	sfence  }
0xb7: {  	s30 =	sld [smem:$0x0];
	_ =	sdelay $0x2  }
0xb8: {  	s31 =	sshll.u32 s1, $0xD;
	s1 =	sshrl.u32 s1, $0x2  }
0xb9: {  	s3 =	sand.u32 $0x4000, s31;
	s1 =	sadd.s32 s1, s30  }
0xba: {  	s0 =	sor.u32 s3, s0;
	s1 =	sshll.u32 s1, $0x11  }
0xbb: {  	s0 =	sor.u32 s1, s0  }
0xbc: {  	s0 =	sadd.s32 $0x8F2B, s0  }
0xbd: {  	[sflag:s0] =	ssyncadd.remote.s32 $0x1  }
0xbe: {  	_ =	sfence.sel $0xFFFF  }
0xbf: {  	[dreg:$0x0] =	wrdreg $0xFFFFFFFF;
	(pc) =	sbr.abs _section_cstart, $3  }
0xc0: {  	[dreg:$0x1] =	wrdreg $0xFFFFFFFF  }
0xc1: {  	_ =	task.clear_ibuf [dreg:s7], $0x2FFFF;
	_ =	strace $0x9FFFFFFF  }
0xc2: {  	(tm) =	ssettm $0x7FFFFFFF  }
0xc3: {  	_ =	shalt  }
tec
execute0_lowered:
.L_overlay_start_1:
0x0: {  	(tag) =	ssettag $0x1  }
0x1: {  	s0 =	srdreg.scid;
	s1 =	rddreg [dreg:$0x0]  }
0x2: {  	s2 =	stileid.u32;
	s7 =	rddreg [dreg:$0x1]  }
0x3: {  	s11 =	simm.s32 $0x2;
	s12 =	simm.s32 $0x3C0;
	s13 =	simm.s32 $0x200  }
0x4: {  	s14 =	simm.s32 $0x780;
	s15 =	simm.s32 $0x7F80;
	s16 =	simm.s32 $0xF780  }
0x5: {  	s17 =	simm.s32 $0x11580;
	s31 =	simm.s32 $0xC0;
	s23 =	simm.s32 $0x100  }
0x6: {  	s28 =	simm.s32 $0x4C0;
	s19 =	simm.s32 $0x140;
	s22 =	simm.s32 $0x500  }
0x7: {  	s29 =	simm.s32 $0x1C0;
	s21 =	simm.s32 $0x580;
	s30 =	simm.s32 $0x1  }
0x8: {  	s18 =	simm.s32 $0x0;
	s0 =	sand.u32 $0x1, s0;
	s2 =	sshll.u32 s2, $0x1  }
0x9: {  	s4 =	sadd.s32 $0x112B200, s1;
	s5 =	sadd.s32 $0xF4A00, s1;
	s6 =	sadd.s32 $0x600, s1  }
0xa: {  	s8 =	sor.u32 s0, s2;
	s2 =	simm.s32 $0x0;
	s0 =	ssub.s32 $0x2, s0  }
0xb: {  	s3 =	smul.u32 $0x78, s8;
	[smem:$0x7FF] =	sst s2;
	s24 =	sshrl.u32 s0, $0x1  }
0xc: {  	s26 =	sshll.u32 s8, $0x9;
	_ =	strace $0x80000047;
	s0 =	ssub.s32 s0, s24  }
0xd: {  	s9 =	sadd.s32 s3, s1;
	s3 =	sadd.s32 $0x14FBC00, s1;
	s1 =	sadd.s32 s7, s26  }
0xe: {  	s24 =	simm.s32 $0x80;
	s10 =	sadd.s32 $0x1E9E00, s9;
	[dreg:$0x5] =	wrdreg s1  }
0xf: {  	s26 =	simm.s32 $0x440;
	s25 =	sadd.s32 $0x1E8E00, s9;
	[dreg:$0x3] =	wrdreg s10  }
0x10: {  	s7 =	simm.s32 $0x13380;
	s1 =	simm.s32 $0x180;
	[dreg:$0x4] =	wrdreg s25  }
0x11: {  	v0 =	vlaneseq.u32;
	s10 =	smax.u32 s0, $0x1;
	s0 =	simm.s32 $0x480;
	s25 =	simm.s32 $0x540  }
.LBB2_1:
0x12: {  	s8 =	rddreg [dreg:$0x3]  }
0x13: {  	[tilespmem:s2], [sflag:$0x2] =	stream.linear.gather [hbm4b:s8+s2], $0x3C0, $0x38;
	[tilespmem:$0x14380] =	vst v63  }
0x14: {  	_ =	swait.ge [sflag:s11], $0x3C0  }
0x15: {  	[sflag:s11] =	ssyncset.done $0x0  }
0x16: {  	s9 =	rddreg [dreg:$0x4];
	[sflag:s11] =	ssyncadd.s32 $0xFFFFFC40  }
0x17: {  	[tilespmem:s12], [sflag:$0x2] =	stream.linear.gather [hbm4b:s9+s2], $0x3C0, $0x38;
	[tilespmem:$0x14380] =	vst v63  }
0x18: {  	_ =	swait.ge [sflag:s11], $0x3C0  }
0x19: {  	[sflag:s11] =	ssyncset.done $0x0  }
0x1a: {  	[sflag:s11] =	ssyncadd.s32 $0xFFFFFC40  }
0x1b: {  	[tilespmem:s14], [sflag:$0x1] =	stream.indirect.gather [hbm4b:s3+s13], $0x20, s2, s13, $0xb8;
	[tilespmem:$0x14380] =	vst v63  }
0x1c: {  	_ = 	snop  }
0x1d: {  	[tilespmem:s15], [sflag:$0x1] =	stream.indirect.gather [hbm4b:s4+s13], $0x20, s12, s13, $0xb8;
	[tilespmem:$0x14380] =	vst v63  }
0x1e: {  	_ = 	snop  }
0x1f: {  	[tilespmem:s16], [sflag:$0x1] =	stream.indirect.gather [hbm4b:s5+s13], $0x1, s12, s13, $0xb8;
	[tilespmem:$0x14380] =	vst v63  }
0x20: {  	_ = 	snop  }
0x21: {  	[tilespmem:s17], [sflag:$0x1] =	stream.indirect.gather [hbm4b:s6+s13], $0x4, s2, s13, $0xb8;
	[tilespmem:$0x14380] =	vst v63  }
0x22: {  	s20 =	simm.s32 $0xF80;
	s8 =	simm.s32 $0x40  }
0x23: {  	[tilespmem:s20], [sflag:$0x1] =	stream.indirect.gather [hbm4b:s3+s13], $0x20, s8, s13, $0xb8;
	[tilespmem:$0x14380] =	vst v63  }
0x24: {  	s9 =	simm.s32 $0x8780;
	s20 =	simm.s32 $0x400  }
0x25: {  	[tilespmem:s9], [sflag:$0x1] =	stream.indirect.gather [hbm4b:s4+s13], $0x20, s20, s13, $0xb8;
	[tilespmem:$0x14380] =	vst v63  }
0x26: {  	s9 =	simm.s32 $0xF980  }
0x27: {  	[tilespmem:s9], [sflag:$0x1] =	stream.indirect.gather [hbm4b:s5+s13], $0x1, s20, s13, $0xb8;
	[tilespmem:$0x14380] =	vst v63  }
0x28: {  	s20 =	simm.s32 $0x11780  }
0x29: {  	[tilespmem:s20], [sflag:$0x1] =	stream.indirect.gather [hbm4b:s6+s13], $0x4, s8, s13, $0xb8;
	[tilespmem:$0x14380] =	vst v63  }
0x2a: {  	s9 =	simm.s32 $0x1780  }
0x2b: {  	[tilespmem:s9], [sflag:$0x1] =	stream.indirect.gather [hbm4b:s3+s13], $0x20, s24, s13, $0xb8;
	[tilespmem:$0x14380] =	vst v63  }
0x2c: {  	s20 =	simm.s32 $0x8F80  }
0x2d: {  	[tilespmem:s20], [sflag:$0x1] =	stream.indirect.gather [hbm4b:s4+s13], $0x20, s26, s13, $0xb8;
	[tilespmem:$0x14380] =	vst v63  }
0x2e: {  	s9 =	simm.s32 $0xFB80  }
0x2f: {  	[tilespmem:s9], [sflag:$0x1] =	stream.indirect.gather [hbm4b:s5+s13], $0x1, s26, s13, $0xb8;
	[tilespmem:$0x14380] =	vst v63  }
0x30: {  	s20 =	simm.s32 $0x11980  }
0x31: {  	[tilespmem:s20], [sflag:$0x1] =	stream.indirect.gather [hbm4b:s6+s13], $0x4, s24, s13, $0xb8;
	[tilespmem:$0x14380] =	vst v63  }
0x32: {  	s9 =	simm.s32 $0x1F80  }
0x33: {  	[tilespmem:s9], [sflag:$0x1] =	stream.indirect.gather [hbm4b:s3+s13], $0x20, s31, s13, $0xb8;
	[tilespmem:$0x14380] =	vst v63  }
0x34: {  	s20 =	simm.s32 $0x9780  }
0x35: {  	[tilespmem:s20], [sflag:$0x1] =	stream.indirect.gather [hbm4b:s4+s13], $0x20, s0, s13, $0xb8;
	[tilespmem:$0x14380] =	vst v63  }
0x36: {  	s9 =	simm.s32 $0xFD80  }
0x37: {  	[tilespmem:s9], [sflag:$0x1] =	stream.indirect.gather [hbm4b:s5+s13], $0x1, s0, s13, $0xb8;
	[tilespmem:$0x14380] =	vst v63  }
0x38: {  	s20 =	simm.s32 $0x11B80  }
0x39: {  	[tilespmem:s20], [sflag:$0x1] =	stream.indirect.gather [hbm4b:s6+s13], $0x4, s31, s13, $0xb8;
	[tilespmem:$0x14380] =	vst v63  }
0x3a: {  	s9 =	simm.s32 $0x2780  }
0x3b: {  	[tilespmem:s9], [sflag:$0x1] =	stream.indirect.gather [hbm4b:s3+s13], $0x20, s23, s13, $0xb8;
	[tilespmem:$0x14380] =	vst v63  }
0x3c: {  	s20 =	simm.s32 $0x9F80  }
0x3d: {  	[tilespmem:s20], [sflag:$0x1] =	stream.indirect.gather [hbm4b:s4+s13], $0x20, s28, s13, $0xb8;
	[tilespmem:$0x14380] =	vst v63  }
0x3e: {  	s9 =	simm.s32 $0xFF80  }
0x3f: {  	[tilespmem:s9], [sflag:$0x1] =	stream.indirect.gather [hbm4b:s5+s13], $0x1, s28, s13, $0xb8;
	[tilespmem:$0x14380] =	vst v63  }
0x40: {  	s20 =	simm.s32 $0x11D80  }
0x41: {  	[tilespmem:s20], [sflag:$0x1] =	stream.indirect.gather [hbm4b:s6+s13], $0x4, s23, s13, $0xb8;
	[tilespmem:$0x14380] =	vst v63  }
0x42: {  	s9 =	simm.s32 $0x2F80  }
0x43: {  	[tilespmem:s9], [sflag:$0x1] =	stream.indirect.gather [hbm4b:s3+s13], $0x20, s19, s13, $0xb8;
	[tilespmem:$0x14380] =	vst v63  }
0x44: {  	s20 =	simm.s32 $0xA780  }
0x45: {  	[tilespmem:s20], [sflag:$0x1] =	stream.indirect.gather [hbm4b:s4+s13], $0x20, s22, s13, $0xb8;
	[tilespmem:$0x14380] =	vst v63  }
0x46: {  	s9 =	simm.s32 $0x10180  }
0x47: {  	[tilespmem:s9], [sflag:$0x1] =	stream.indirect.gather [hbm4b:s5+s13], $0x1, s22, s13, $0xb8;
	[tilespmem:$0x14380] =	vst v63  }
0x48: {  	s20 =	simm.s32 $0x11F80  }
0x49: {  	[tilespmem:s20], [sflag:$0x1] =	stream.indirect.gather [hbm4b:s6+s13], $0x4, s19, s13, $0xb8;
	[tilespmem:$0x14380] =	vst v63  }
0x4a: {  	s9 =	simm.s32 $0x3780  }
0x4b: {  	[tilespmem:s9], [sflag:$0x1] =	stream.indirect.gather [hbm4b:s3+s13], $0x20, s1, s13, $0xb8;
	[tilespmem:$0x14380] =	vst v63  }
0x4c: {  	s20 =	simm.s32 $0xAF80  }
0x4d: {  	[tilespmem:s20], [sflag:$0x1] =	stream.indirect.gather [hbm4b:s4+s13], $0x20, s25, s13, $0xb8;
	[tilespmem:$0x14380] =	vst v63  }
0x4e: {  	s9 =	simm.s32 $0x10380  }
0x4f: {  	[tilespmem:s9], [sflag:$0x1] =	stream.indirect.gather [hbm4b:s5+s13], $0x1, s25, s13, $0xb8;
	[tilespmem:$0x14380] =	vst v63  }
0x50: {  	s20 =	simm.s32 $0x12180  }
0x51: {  	[tilespmem:s20], [sflag:$0x1] =	stream.indirect.gather [hbm4b:s6+s13], $0x4, s1, s13, $0xb8;
	[tilespmem:$0x14380] =	vst v63  }
0x52: {  	s9 =	simm.s32 $0x3F80  }
0x53: {  	[tilespmem:s9], [sflag:$0x1] =	stream.indirect.gather [hbm4b:s3+s13], $0x20, s29, s13, $0xb8;
	[tilespmem:$0x14380] =	vst v63  }
0x54: {  	s20 =	simm.s32 $0xB780  }
0x55: {  	[tilespmem:s20], [sflag:$0x1] =	stream.indirect.gather [hbm4b:s4+s13], $0x20, s21, s13, $0xb8;
	[tilespmem:$0x14380] =	vst v63  }
0x56: {  	s9 =	simm.s32 $0x10580  }
0x57: {  	[tilespmem:s9], [sflag:$0x1] =	stream.indirect.gather [hbm4b:s5+s13], $0x1, s21, s13, $0xb8;
	[tilespmem:$0x14380] =	vst v63  }
0x58: {  	s20 =	simm.s32 $0x12380  }
0x59: {  	[tilespmem:s20], [sflag:$0x1] =	stream.indirect.gather [hbm4b:s6+s13], $0x4, s29, s13, $0xb8;
	[tilespmem:$0x14380] =	vst v63  }
0x5a: {  	_ =	swait.ge [sflag:s30], $0x4000  }
0x5b: {  	[sflag:s30] =	ssyncset.done $0x0  }
0x5c: {  	[sflag:s30] =	ssyncadd.s32 $0xFFFFC000  }
0x5d: {  	_ =	swait.ge [sflag:s30], $0x4000  }
0x5e: {  	[sflag:s30] =	ssyncset.done $0x0  }
0x5f: {  	[sflag:s30] =	ssyncadd.s32 $0xFFFFC000  }
0x60: {  	_ =	swait.ge [sflag:s30], $0x200  }
0x61: {  	[sflag:s30] =	ssyncset.done $0x0  }
0x62: {  	[sflag:s30] =	ssyncadd.s32 $0xFFFFFE00  }
0x63: {  	_ =	swait.ge [sflag:s30], $0x800  }
0x64: {  	[sflag:s30] =	ssyncset.done $0x0  }
0x65: {  	[sflag:s30] =	ssyncadd.s32 $0xFFFFF800  }
0x66: {  	_ =	swait.ge [sflag:s30], $0x4000  }
0x67: {  	[sflag:s30] =	ssyncset.done $0x0  }
0x68: {  	[sflag:s30] =	ssyncadd.s32 $0xFFFFC000  }
0x69: {  	_ =	swait.ge [sflag:s30], $0x4000  }
0x6a: {  	[sflag:s30] =	ssyncset.done $0x0  }
0x6b: {  	[sflag:s30] =	ssyncadd.s32 $0xFFFFC000  }
0x6c: {  	_ =	swait.ge [sflag:s30], $0x200  }
0x6d: {  	[sflag:s30] =	ssyncset.done $0x0  }
0x6e: {  	[sflag:s30] =	ssyncadd.s32 $0xFFFFFE00  }
0x6f: {  	_ =	swait.ge [sflag:s30], $0x800  }
0x70: {  	[sflag:s30] =	ssyncset.done $0x0  }
0x71: {  	[sflag:s30] =	ssyncadd.s32 $0xFFFFF800  }
0x72: {  	_ =	swait.ge [sflag:s30], $0x4000  }
0x73: {  	[sflag:s30] =	ssyncset.done $0x0  }
0x74: {  	[sflag:s30] =	ssyncadd.s32 $0xFFFFC000  }
0x75: {  	_ =	swait.ge [sflag:s30], $0x4000  }
0x76: {  	[sflag:s30] =	ssyncset.done $0x0  }
0x77: {  	[sflag:s30] =	ssyncadd.s32 $0xFFFFC000  }
0x78: {  	_ =	swait.ge [sflag:s30], $0x200  }
0x79: {  	[sflag:s30] =	ssyncset.done $0x0  }
0x7a: {  	[sflag:s30] =	ssyncadd.s32 $0xFFFFFE00  }
0x7b: {  	_ =	swait.ge [sflag:s30], $0x800  }
0x7c: {  	[sflag:s30] =	ssyncset.done $0x0  }
0x7d: {  	[sflag:s30] =	ssyncadd.s32 $0xFFFFF800  }
0x7e: {  	_ =	swait.ge [sflag:s30], $0x4000  }
0x7f: {  	[sflag:s30] =	ssyncset.done $0x0  }
0x80: {  	[sflag:s30] =	ssyncadd.s32 $0xFFFFC000  }
0x81: {  	_ =	swait.ge [sflag:s30], $0x4000  }
0x82: {  	[sflag:s30] =	ssyncset.done $0x0  }
0x83: {  	[sflag:s30] =	ssyncadd.s32 $0xFFFFC000  }
0x84: {  	_ =	swait.ge [sflag:s30], $0x200  }
0x85: {  	[sflag:s30] =	ssyncset.done $0x0  }
0x86: {  	[sflag:s30] =	ssyncadd.s32 $0xFFFFFE00  }
0x87: {  	_ =	swait.ge [sflag:s30], $0x800  }
0x88: {  	[sflag:s30] =	ssyncset.done $0x0  }
0x89: {  	[sflag:s30] =	ssyncadd.s32 $0xFFFFF800  }
0x8a: {  	_ =	swait.ge [sflag:s30], $0x4000  }
0x8b: {  	[sflag:s30] =	ssyncset.done $0x0  }
0x8c: {  	[sflag:s30] =	ssyncadd.s32 $0xFFFFC000  }
0x8d: {  	_ =	swait.ge [sflag:s30], $0x4000  }
0x8e: {  	[sflag:s30] =	ssyncset.done $0x0  }
0x8f: {  	[sflag:s30] =	ssyncadd.s32 $0xFFFFC000  }
0x90: {  	_ =	swait.ge [sflag:s30], $0x200  }
0x91: {  	[sflag:s30] =	ssyncset.done $0x0  }
0x92: {  	[sflag:s30] =	ssyncadd.s32 $0xFFFFFE00  }
0x93: {  	_ =	swait.ge [sflag:s30], $0x800  }
0x94: {  	[sflag:s30] =	ssyncset.done $0x0  }
0x95: {  	[sflag:s30] =	ssyncadd.s32 $0xFFFFF800  }
0x96: {  	_ =	swait.ge [sflag:s30], $0x4000  }
0x97: {  	[sflag:s30] =	ssyncset.done $0x0  }
0x98: {  	[sflag:s30] =	ssyncadd.s32 $0xFFFFC000  }
0x99: {  	_ =	swait.ge [sflag:s30], $0x4000  }
0x9a: {  	[sflag:s30] =	ssyncset.done $0x0  }
0x9b: {  	[sflag:s30] =	ssyncadd.s32 $0xFFFFC000  }
0x9c: {  	_ =	swait.ge [sflag:s30], $0x200  }
0x9d: {  	[sflag:s30] =	ssyncset.done $0x0  }
0x9e: {  	[sflag:s30] =	ssyncadd.s32 $0xFFFFFE00  }
0x9f: {  	_ =	swait.ge [sflag:s30], $0x800  }
0xa0: {  	[sflag:s30] =	ssyncset.done $0x0  }
0xa1: {  	[sflag:s30] =	ssyncadd.s32 $0xFFFFF800  }
0xa2: {  	_ =	swait.ge [sflag:s30], $0x4000  }
0xa3: {  	[sflag:s30] =	ssyncset.done $0x0  }
0xa4: {  	[sflag:s30] =	ssyncadd.s32 $0xFFFFC000  }
0xa5: {  	_ =	swait.ge [sflag:s30], $0x4000  }
0xa6: {  	[sflag:s30] =	ssyncset.done $0x0  }
0xa7: {  	[sflag:s30] =	ssyncadd.s32 $0xFFFFC000  }
0xa8: {  	_ =	swait.ge [sflag:s30], $0x200  }
0xa9: {  	[sflag:s30] =	ssyncset.done $0x0  }
0xaa: {  	[sflag:s30] =	ssyncadd.s32 $0xFFFFFE00  }
0xab: {  	_ =	swait.ge [sflag:s30], $0x800  }
0xac: {  	[sflag:s30] =	ssyncset.done $0x0  }
0xad: {  	[sflag:s30] =	ssyncadd.s32 $0xFFFFF800  }
0xae: {  	_ =	swait.ge [sflag:s30], $0x4000  }
0xaf: {  	[sflag:s30] =	ssyncset.done $0x0  }
0xb0: {  	[sflag:s30] =	ssyncadd.s32 $0xFFFFC000  }
0xb1: {  	_ =	swait.ge [sflag:s30], $0x4000  }
0xb2: {  	[sflag:s30] =	ssyncset.done $0x0  }
0xb3: {  	v1 =	vor.u32 s2, v0;
	[sflag:s30] =	ssyncadd.s32 $0xFFFFC000  }
0xb4: {  	v2 =	vshll.u32 v1, $0x5;
	_ =	swait.ge [sflag:s30], $0x200  }
0xb5: {  	v3 =	vor.u32 $0x1, v2;
	[sflag:s30] =	ssyncset.done $0x0  }
0xb6: {  	[sflag:s30] =	ssyncadd.s32 $0xFFFFFE00  }
0xb7: {  	_ =	swait.ge [sflag:s30], $0x800  }
0xb8: {  	v4 =	vor.u32 $0x2, v2;
	[sflag:s30] =	ssyncset.done $0x0  }
0xb9: {  	[sflag:s30] =	ssyncadd.s32 $0xFFFFF800  }
0xba: {  	v5 =	vld.idx.msk [tilespmem:v3+s14+$0x0], $0xffff  }
0xbb: {  	v1 =	vshll.u32 v1, $0x3;
	v3 =	vld.idx.msk [tilespmem:v3+s15+$0x0], $0xffff  }
0xbc: {  	v10 =	vor.u32 $0x3, v2;
	v8 =	vld.idx.msk [tilespmem:v2+s14+$0x0], $0xffff  }
0xbd: {  	v9 =	vld.idx.msk [tilespmem:v4+s15+$0x0], $0xffff  }
0xbe: {  	v7 =	vor.u32 $0x1F, v2;
	v11 =	vld.idx.msk [tilespmem:v2+s15+$0x0], $0xffff  }
0xbf: {  	v12 =	vor.u32 $0x4, v2;
	v4 =	vld.idx.msk [tilespmem:v4+s14+$0x0], $0xffff  }
0xc0: {  	v13 =	vld.idx.msk [tilespmem:v1+s16+$0x0], $0xffff  }
0xc1: {  	v14 =	vor.u32 $0x5, v2;
	v15 =	vld.idx.msk [tilespmem:v10+s15+$0x0], $0xffff  }
0xc2: {  	v19 =	vor.u32 $0x8, v2;
	v10 =	vld.idx.msk [tilespmem:v10+s14+$0x0], $0xffff  }
0xc3: {  	v6 =	vld.idx.msk [tilespmem:v7+s15+$0x0], $0xffff;
	v8 =	vmul.f32 v11, v8  }
0xc4: {  	v16 =	vor.u32 $0x6, v2;
	v17 =	vld.idx.msk [tilespmem:v12+s15+$0x0], $0xffff  }
0xc5: {  	v11 =	vld.idx.msk [tilespmem:v12+s14+$0x0], $0xffff;
	v3 =	vmul.f32 v3, v5;
	v5 =	vadd.f32 v8, v13  }
0xc6: {  	v18 =	vor.u32 $0x7, v2;
	v12 =	vld.idx.msk [tilespmem:v14+s15+$0x0], $0xffff  }
0xc7: {  	v4 =	vmul.f32 v9, v4;
	v10 =	vmul.f32 v15, v10;
	v15 =	vld.idx.msk [tilespmem:v19+s15+$0x0], $0xffff;
	v3 =	vadd.f32 v3, v5  }
0xc8: {  	v9 =	vor.u32 $0x9, v2;
	v8 =	vld.idx.msk [tilespmem:v14+s14+$0x0], $0xffff  }
0xc9: {  	v13 =	vld.idx.msk [tilespmem:v16+s15+$0x0], $0xffff;
	v3 =	vadd.f32 v4, v3  }
0xca: {  	v5 =	vld.idx.msk [tilespmem:v16+s14+$0x0], $0xffff  }
0xcb: {  	v14 =	vld.idx.msk [tilespmem:v18+s15+$0x0], $0xffff;
	v16 =	vor.u32 $0xA, v2;
	v11 =	vmul.f32 v17, v11;
	v3 =	vadd.f32 v10, v3  }
0xcc: {  	v4 =	vld.idx.msk [tilespmem:v18+s14+$0x0], $0xffff;
	v18 =	vor.u32 $0xB, v2  }
0xcd: {  	v17 =	vld.idx.msk [tilespmem:v9+s15+$0x0], $0xffff;
	v8 =	vmul.f32 v12, v8;
	v3 =	vadd.f32 v11, v3  }
0xce: {  	v10 =	vld.idx.msk [tilespmem:v19+s14+$0x0], $0xffff  }
0xcf: {  	v9 =	vld.idx.msk [tilespmem:v9+s14+$0x0], $0xffff;
	v5 =	vmul.f32 v13, v5;
	v11 =	vor.u32 $0xC, v2;
	v3 =	vadd.f32 v8, v3  }
0xd0: {  	v12 =	vld.idx.msk [tilespmem:v16+s15+$0x0], $0xffff  }
0xd1: {  	v19 =	vor.u32 $0xD, v2;
	v13 =	vld.idx.msk [tilespmem:v18+s15+$0x0], $0xffff;
	v4 =	vmul.f32 v14, v4;
	v3 =	vadd.f32 v5, v3  }
0xd2: {  	v14 =	vor.u32 $0xE, v2;
	v8 =	vld.idx.msk [tilespmem:v16+s14+$0x0], $0xffff  }
0xd3: {  	v10 =	vmul.f32 v15, v10;
	v5 =	vld.idx.msk [tilespmem:v18+s14+$0x0], $0xffff;
	v3 =	vadd.f32 v4, v3  }
0xd4: {  	v15 =	vor.u32 $0x10, v2;
	v16 =	vld.idx.msk [tilespmem:v11+s15+$0x0], $0xffff  }
0xd5: {  	v9 =	vmul.f32 v17, v9;
	v4 =	vld.idx.msk [tilespmem:v11+s14+$0x0], $0xffff;
	v3 =	vadd.f32 v10, v3  }
0xd6: {  	v18 =	vor.u32 $0xF, v2;
	v11 =	vld.idx.msk [tilespmem:v19+s15+$0x0], $0xffff  }
0xd7: {  	v17 =	vld.idx.msk [tilespmem:v14+s15+$0x0], $0xffff;
	v8 =	vmul.f32 v12, v8;
	v3 =	vadd.f32 v9, v3  }
0xd8: {  	v10 =	vld.idx.msk [tilespmem:v19+s14+$0x0], $0xffff  }
0xd9: {  	v12 =	vor.u32 $0x11, v2;
	v5 =	vmul.f32 v13, v5;
	v13 =	vld.idx.msk [tilespmem:v15+s15+$0x0], $0xffff;
	v3 =	vadd.f32 v8, v3  }
0xda: {  	v9 =	vld.idx.msk [tilespmem:v14+s14+$0x0], $0xffff  }
0xdb: {  	v19 =	vor.u32 $0x12, v2;
	v14 =	vld.idx.msk [tilespmem:v18+s15+$0x0], $0xffff;
	v4 =	vmul.f32 v16, v4;
	v3 =	vadd.f32 v5, v3  }
0xdc: {  	v8 =	vld.idx.msk [tilespmem:v18+s14+$0x0], $0xffff;
	v18 =	vor.u32 $0x13, v2  }
0xdd: {  	v10 =	vmul.f32 v11, v10;
	v5 =	vld.idx.msk [tilespmem:v15+s14+$0x0], $0xffff;
	v3 =	vadd.f32 v4, v3  }
0xde: {  	v15 =	vld.idx.msk [tilespmem:v12+s15+$0x0], $0xffff  }
0xdf: {  	v11 =	vor.u32 $0x14, v2;
	v9 =	vmul.f32 v17, v9;
	v4 =	vld.idx.msk [tilespmem:v12+s14+$0x0], $0xffff;
	v3 =	vadd.f32 v10, v3  }
0xe0: {  	v12 =	vld.idx.msk [tilespmem:v19+s15+$0x0], $0xffff  }
0xe1: {  	v16 =	vor.u32 $0x15, v2;
	v8 =	vmul.f32 v14, v8;
	v14 =	vld.idx.msk [tilespmem:v18+s14+$0x0], $0xffff;
	v3 =	vadd.f32 v9, v3  }
0xe2: {  	v10 =	vld.idx.msk [tilespmem:v19+s14+$0x0], $0xffff  }
0xe3: {  	v17 =	vor.u32 $0x16, v2;
	v19 =	vld.idx.msk [tilespmem:v18+s15+$0x0], $0xffff;
	v5 =	vmul.f32 v13, v5;
	v3 =	vadd.f32 v8, v3  }
0xe4: {  	v18 =	vld.idx.msk [tilespmem:v11+s15+$0x0], $0xffff  }
0xe5: {  	v22 =	vor.u32 $0x17, v2;
	v21 =	vld.idx.msk [tilespmem:v11+s14+$0x0], $0xffff;
	v11 =	vmul.f32 v15, v4;
	v5 =	vadd.f32 v5, v3  }
0xe6: {  	v13 =	vld.idx.msk [tilespmem:v16+s15+$0x0], $0xffff  }
0xe7: {  	v16 =	vld.idx.msk [tilespmem:v16+s14+$0x0], $0xffff;
	v20 =	vadd.f32 v11, v5;
	v11 =	vor.u32 $0x1B, v2  }
0xe8: {  	v9 =	vor.u32 $0x18, v2;
	v15 =	vld.idx.msk [tilespmem:v17+s15+$0x0], $0xffff;
	v10 =	vmul.f32 v12, v10  }
0xe9: {  	v4 =	vor.u32 $0x2, v1;
	v17 =	vld.idx.msk [tilespmem:v17+s14+$0x0], $0xffff;
	v8 =	vor.u32 $0x19, v2  }
0xea: {  	v19 =	vmul.f32 v19, v14;
	v12 =	vld.idx.msk [tilespmem:v22+s15+$0x0], $0xffff;
	v3 =	vor.u32 $0x1, v1;
	v20 =	vadd.f32 v10, v20  }
0xeb: {  	s8 =	simm.s32 $0x10;
	v18 =	vmul.f32 v18, v21;
	v14 =	vld.idx.msk [tilespmem:v22+s14+$0x0], $0xffff;
	v5 =	vor.u32 $0x3, v1;
	v10 =	vor.u32 $0x1A, v2  }
.LBB2_2:
0xec: {  	p0 =	sne.s32 s8, $0x1F0;
	v19 =	vadd.f32 v19, v20;
	v26 =	vld.idx.msk [tilespmem:v11+s15+$0x0], $0xffff;
	s20 =	smov.u32 s8;
	s8 =	sadd.s32 $0x10, s8  }
0xed: {  	v13 =	vmul.f32 v13, v16;
	v27 =	vld.idx.msk [tilespmem:v9+s15+$0x0], $0xffff  }
0xee: {  	v28 =	vor.u32 $0x1E, v2;
	v16 =	vor.u32 s20, v0;
	v18 =	vadd.f32 v18, v19;
	v9 =	vld.idx.msk [tilespmem:v9+s14+$0x0], $0xffff  }
0xef: {  	v29 =	vor.u32 $0x1D, v2;
	v19 =	vshll.u32 v16, $0x5;
	v15 =	vmul.f32 v15, v17;
	v30 =	vld.idx.msk [tilespmem:v3+s17+$0x0], $0xffff  }
0xf0: {  	v24 =	vor.u32 $0x1, v19;
	v23 =	vor.u32 $0x2, v19;
	v13 =	vadd.f32 v13, v18;
	v31 =	vld.idx.msk [tilespmem:v10+s15+$0x0], $0xffff  }
0xf1: {  	v33 =	vor.u32 $0x1C, v2;
	v22 =	vor.u32 $0x4, v19;
	v21 =	vor.u32 $0x5, v19;
	v2 =	vmovc v19;
	v32 =	vld.idx.msk [tilespmem:v8+s14+$0x0], $0xffff  }
0xf2: {  	v20 =	vor.u32 $0x7, v2;
	v19 =	vor.u32 $0x8, v2;
	v12 =	vmul.f32 v12, v14;
	v34 =	vld.idx.msk [tilespmem:v8+s15+$0x0], $0xffff  }
0xf3: {  	v18 =	vor.u32 $0xA, v2;
	v17 =	vor.u32 $0xB, v2;
	v8 =	vadd.f32 v15, v13;
	v35 =	vld.idx.msk [tilespmem:v4+s17+$0x0], $0xffff  }
0xf4: {  	v25 =	vshll.u32 v16, $0x3;
	v16 =	vor.u32 $0xD, v2;
	v9 =	vmul.f32 v27, v9;
	v27 =	vld.idx.msk [tilespmem:v10+s14+$0x0], $0xffff  }
0xf5: {  	v14 =	vor.u32 $0x10, v2;
	v15 =	vor.u32 $0xF, v2;
	v8 =	vadd.f32 v12, v8;
	v36 =	vld.idx.msk [tilespmem:v5+s17+$0x0], $0xffff  }
0xf6: {  	v13 =	vor.u32 $0x12, v2;
	v12 =	vor.u32 $0x13, v2;
	v30 =	vmul.f32 $1.442695020e+00, v30;
	v37 =	vld.idx.msk [tilespmem:v11+s14+$0x0], $0xffff  }
0xf7: {  	v10 =	vor.u32 $0x16, v2;
	v11 =	vor.u32 $0x15, v2;
	v38 =	vadd.f32 v9, v8;
	v39 =	vld.idx.msk [tilespmem:v33+s15+$0x0], $0xffff  }
0xf8: {  	v9 =	vor.u32 $0x18, v2;
	v8 =	vor.u32 $0x19, v2;
	v32 =	vmul.f32 v34, v32;
	v33 =	vld.idx.msk [tilespmem:v33+s14+$0x0], $0xffff  }
0xf9: {  	v35 =	vmul.f32 $1.442695020e+00, v35;
	v34 =	vld.idx.msk [tilespmem:v29+s15+$0x0], $0xffff;
	(erf) = vpow2.f32 v30  }
0xfa: {  	v30 =	vadd.f32 v32, v38;
	v27 =	vmul.f32 v31, v27;
	v29 =	vld.idx.msk [tilespmem:v29+s14+$0x0], $0xffff  }
0xfb: {  	v32 =	vmul.f32 $1.442695020e+00, v36;
	v31 =	vld.idx.msk [tilespmem:v28+s15+$0x0], $0xffff;
	(erf) = vpow2.f32 v35  }
0xfc: {  	v27 =	vadd.f32 v27, v30;
	v26 =	vmul.f32 v26, v37;
	v28 =	vld.idx.msk [tilespmem:v28+s14+$0x0], $0xffff  }
0xfd: {  	v30 =	vld.idx.msk [tilespmem:v1+s17+$0x0], $0xffff;
	(erf) = vpow2.f32 v32  }
0xfe: {  	v26 =	vadd.f32 v26, v27;
	v27 =	vmul.f32 v39, v33;
	v7 =	vld.idx.msk [tilespmem:v7+s14+$0x0], $0xffff;
	_ =	sdelay $0x1  }
0xff: {  	v26 =	vadd.f32 v27, v26;
	v27 =	vmul.f32 v34, v29;
	_ =	sdelay $0x1  }
0x100: {  	v26 =	vadd.f32 v27, v26;
	v27 =	vmul.f32 v31, v28;
	v28 =	vpop (erf)  }
0x101: {  	v28 =	vadd.f32 v28, v30  }
0x102: {  	v27 =	vadd.f32 v27, v26;
	v6 =	vmul.f32 v6, v7;
	v7 =	vpop (erf)  }
0x103: {  	v7 =	vadd.f32 v7, v28  }
0x104: {  	v6 =	vadd.f32 v6, v27;
	v26 =	vpop (erf)  }
0x105: {  	v26 =	vadd.f32 v26, v7  }
0x106: {  	v27 =	vsub.f32 v6, v30;
	v28 =	vsub.f32 v6, v28  }
0x107: {  	v7 =	vsub.f32 v6, v7;
	v6 =	vsub.f32 v6, v26  }
0x108: {  	v26 =	vmul.f32 $1.442695020e+00, v27;
	v27 =	vmul.f32 $1.442695020e+00, v28  }
0x109: {  	v7 =	vmul.f32 $1.442695020e+00, v7;
	v6 =	vmul.f32 $1.442695020e+00, v6  }
0x10a: {  	(erf) = vpow2.f32 v26  }
0x10b: {  	(erf) = vpow2.f32 v27  }
0x10c: {  	(erf) = vpow2.f32 v7  }
0x10d: {  	(erf) = vpow2.f32 v6;
	_ =	sdelay $0x5  }
0x10e: {  	v6 =	vpop (erf)  }
0x10f: {  	v27 =	vadd.f32 $1.000000000e+00, v6;
	v7 =	vpop (erf)  }
0x110: {  	v7 =	vadd.f32 $1.000000000e+00, v7;
	v26 =	vpop (erf)  }
0x111: {  	v26 =	vadd.f32 $1.000000000e+00, v26;
	(erf) = vrcp.f32 v27;
	v6 =	vpop (erf)  }
0x112: {  	v6 =	vadd.f32 $1.000000000e+00, v6;
	(erf) = vrcp.f32 v7  }
0x113: {  	(erf) = vrcp.f32 v26  }
0x114: {  	(erf) = vrcp.f32 v6;
	_ =	sdelay $0x5  }
0x115: {  	v6 =	vpop (erf)  }
0x116: {  	[tilespmem:v1+s7+$0x0] =	vst.idx.msk $0xffff, v6;
	v7 =	vpop (erf)  }
0x117: {  	v27 =	vor.u32 $0x4, v1;
	v26 =	vor.u32 $0x1, v25;
	v6 =	vsub.f32 v7, v6;
	v28 =	vpop (erf)  }
0x118: {  	v1 =	vmov v25;
	v7 =	vsub.f32 v28, v7;
	v29 =	vpop (erf)  }
0x119: {  	v25 =	vor.u32 $0x2, v1;
	v28 =	vsub.f32 v29, v28;
	[tilespmem:v3+s7+$0x0] =	vst.idx.msk $0xffff, v6;
	v3 =	vmov v26  }
0x11a: {  	v6 =	vsub.f32 $1.000000000e+00, v29;
	[tilespmem:v4+s7+$0x0] =	vst.idx.msk $0xffff, v7;
	v4 =	vmov v25  }
0x11b: {  	[tilespmem:v5+s7+$0x0] =	vst.idx.msk $0xffff, v28;
	v5 =	vor.u32 $0x3, v1  }
0x11c: {  	[tilespmem:v27+s7+$0x0] =	vst.idx.msk $0xffff, v6  }
0x11d: {  	v25 =	vld.idx.msk [tilespmem:v24+s14+$0x0], $0xffff  }
0x11e: {  	v24 =	vld.idx.msk [tilespmem:v24+s15+$0x0], $0xffff  }
0x11f: {  	v7 =	vor.u32 $0x1F, v2;
	v26 =	vld.idx.msk [tilespmem:v2+s14+$0x0], $0xffff  }
0x120: {  	v28 =	vor.u32 $0x3, v2;
	v27 =	vld.idx.msk [tilespmem:v23+s15+$0x0], $0xffff  }
0x121: {  	v29 =	vld.idx.msk [tilespmem:v2+s15+$0x0], $0xffff  }
0x122: {  	v23 =	vld.idx.msk [tilespmem:v23+s14+$0x0], $0xffff  }
0x123: {  	v30 =	vld.idx.msk [tilespmem:v1+s16+$0x0], $0xffff  }
0x124: {  	v6 =	vld.idx.msk [tilespmem:v7+s15+$0x0], $0xffff  }
0x125: {  	v31 =	vld.idx.msk [tilespmem:v28+s15+$0x0], $0xffff  }
0x126: {  	v32 =	vor.u32 $0x6, v2;
	v28 =	vld.idx.msk [tilespmem:v28+s14+$0x0], $0xffff  }
0x127: {  	v26 =	vmul.f32 v29, v26;
	v29 =	vld.idx.msk [tilespmem:v22+s15+$0x0], $0xffff  }
0x128: {  	v24 =	vmul.f32 v24, v25;
	v23 =	vmul.f32 v27, v23;
	v22 =	vld.idx.msk [tilespmem:v22+s14+$0x0], $0xffff  }
0x129: {  	v25 =	vadd.f32 v26, v30;
	v26 =	vld.idx.msk [tilespmem:v21+s15+$0x0], $0xffff  }
0x12a: {  	v21 =	vld.idx.msk [tilespmem:v21+s14+$0x0], $0xffff  }
0x12b: {  	v24 =	vadd.f32 v24, v25;
	v25 =	vld.idx.msk [tilespmem:v32+s15+$0x0], $0xffff  }
0x12c: {  	v30 =	vor.u32 $0x9, v2;
	v27 =	vmul.f32 v31, v28;
	v28 =	vld.idx.msk [tilespmem:v32+s14+$0x0], $0xffff  }
0x12d: {  	v23 =	vadd.f32 v23, v24;
	v24 =	vld.idx.msk [tilespmem:v20+s15+$0x0], $0xffff  }
0x12e: {  	v22 =	vmul.f32 v29, v22;
	v20 =	vld.idx.msk [tilespmem:v20+s14+$0x0], $0xffff  }
0x12f: {  	v23 =	vadd.f32 v27, v23;
	v27 =	vld.idx.msk [tilespmem:v19+s15+$0x0], $0xffff  }
0x130: {  	v21 =	vmul.f32 v26, v21;
	v19 =	vld.idx.msk [tilespmem:v19+s14+$0x0], $0xffff  }
0x131: {  	v22 =	vadd.f32 v22, v23;
	v23 =	vld.idx.msk [tilespmem:v30+s15+$0x0], $0xffff  }
0x132: {  	v25 =	vmul.f32 v25, v28;
	v28 =	vor.u32 $0xC, v2;
	v26 =	vld.idx.msk [tilespmem:v30+s14+$0x0], $0xffff  }
0x133: {  	v21 =	vadd.f32 v21, v22;
	v22 =	vld.idx.msk [tilespmem:v18+s15+$0x0], $0xffff  }
0x134: {  	v20 =	vmul.f32 v24, v20;
	v18 =	vld.idx.msk [tilespmem:v18+s14+$0x0], $0xffff  }
0x135: {  	v21 =	vadd.f32 v25, v21;
	v24 =	vld.idx.msk [tilespmem:v17+s15+$0x0], $0xffff  }
0x136: {  	v25 =	vor.u32 $0xE, v2;
	v19 =	vmul.f32 v27, v19;
	v17 =	vld.idx.msk [tilespmem:v17+s14+$0x0], $0xffff  }
0x137: {  	v20 =	vadd.f32 v20, v21;
	v21 =	vld.idx.msk [tilespmem:v28+s15+$0x0], $0xffff  }
0x138: {  	v23 =	vmul.f32 v23, v26;
	v26 =	vld.idx.msk [tilespmem:v28+s14+$0x0], $0xffff  }
0x139: {  	v19 =	vadd.f32 v19, v20;
	v20 =	vld.idx.msk [tilespmem:v16+s15+$0x0], $0xffff  }
0x13a: {  	v18 =	vmul.f32 v22, v18;
	v16 =	vld.idx.msk [tilespmem:v16+s14+$0x0], $0xffff  }
0x13b: {  	v19 =	vadd.f32 v23, v19;
	v22 =	vld.idx.msk [tilespmem:v25+s15+$0x0], $0xffff  }
0x13c: {  	v17 =	vmul.f32 v24, v17;
	v24 =	vor.u32 $0x11, v2;
	v23 =	vld.idx.msk [tilespmem:v25+s14+$0x0], $0xffff  }
0x13d: {  	v18 =	vadd.f32 v18, v19;
	v19 =	vld.idx.msk [tilespmem:v15+s15+$0x0], $0xffff  }
0x13e: {  	v21 =	vmul.f32 v21, v26;
	v15 =	vld.idx.msk [tilespmem:v15+s14+$0x0], $0xffff  }
0x13f: {  	v17 =	vadd.f32 v17, v18;
	v18 =	vld.idx.msk [tilespmem:v14+s15+$0x0], $0xffff  }
0x140: {  	v16 =	vmul.f32 v20, v16;
	v14 =	vld.idx.msk [tilespmem:v14+s14+$0x0], $0xffff  }
0x141: {  	v17 =	vadd.f32 v21, v17;
	v20 =	vld.idx.msk [tilespmem:v24+s15+$0x0], $0xffff  }
0x142: {  	v21 =	vmul.f32 v22, v23;
	v23 =	vor.u32 $0x14, v2;
	v22 =	vld.idx.msk [tilespmem:v24+s14+$0x0], $0xffff  }
0x143: {  	v16 =	vadd.f32 v16, v17;
	v17 =	vld.idx.msk [tilespmem:v13+s15+$0x0], $0xffff  }
0x144: {  	v15 =	vmul.f32 v19, v15;
	v19 =	vld.idx.msk [tilespmem:v13+s14+$0x0], $0xffff  }
0x145: {  	v13 =	vadd.f32 v21, v16;
	v21 =	vld.idx.msk [tilespmem:v12+s15+$0x0], $0xffff  }
0x146: {  	v14 =	vmul.f32 v18, v14;
	v12 =	vld.idx.msk [tilespmem:v12+s14+$0x0], $0xffff  }
0x147: {  	v13 =	vadd.f32 v15, v13;
	v18 =	vld.idx.msk [tilespmem:v23+s15+$0x0], $0xffff  }
0x148: {  	v15 =	vmul.f32 v20, v22;
	v22 =	vld.idx.msk [tilespmem:v23+s14+$0x0], $0xffff;
	v23 =	vor.u32 $0x17, v2  }
0x149: {  	v14 =	vadd.f32 v14, v13;
	v13 =	vld.idx.msk [tilespmem:v11+s15+$0x0], $0xffff  }
.Ltmp0:
0x14a: {  	v20 =	vmul.f32 v17, v19;
	v16 =	vld.idx.msk [tilespmem:v11+s14+$0x0], $0xffff;
	v11 =	vor.u32 $0x1B, v2;
	(pc) =	sbr.rel @p0 .LBB2_2-.Ltmp0, $4  }
0x14b: {  	v14 =	vadd.f32 v15, v14;
	v15 =	vld.idx.msk [tilespmem:v10+s15+$0x0], $0xffff  }
0x14c: {  	v19 =	vmul.f32 v21, v12;
	v17 =	vld.idx.msk [tilespmem:v10+s14+$0x0], $0xffff  }
0x14d: {  	v20 =	vadd.f32 v20, v14;
	v12 =	vld.idx.msk [tilespmem:v23+s15+$0x0], $0xffff  }
0x14e: {  	v10 =	vor.u32 $0x1A, v2;
	v18 =	vmul.f32 v18, v22;
	v14 =	vld.idx.msk [tilespmem:v23+s14+$0x0], $0xffff  }
0x14f: {  	_ =	sdelay $0x3  }
0x150: {  	v21 =	vld.idx.msk [tilespmem:v11+s15+$0x0], $0xffff  }
0x151: {  	v19 =	vadd.f32 v19, v20;
	v27 =	vld.idx.msk [tilespmem:v9+s15+$0x0], $0xffff  }
0x152: {  	v28 =	vld.idx.msk [tilespmem:v9+s14+$0x0], $0xffff  }
0x153: {  	v13 =	vmul.f32 v13, v16;
	v30 =	vld.idx.msk [tilespmem:v3+s17+$0x0], $0xffff;
	v29 =	vadd.f32 v18, v19  }
0x154: {  	v31 =	vld.idx.msk [tilespmem:v10+s15+$0x0], $0xffff  }
0x155: {  	v32 =	vld.idx.msk [tilespmem:v8+s14+$0x0], $0xffff;
	v15 =	vmul.f32 v15, v17;
	v13 =	vadd.f32 v13, v29  }
0x156: {  	v33 =	vor.u32 $0x1C, v2;
	v34 =	vld.idx.msk [tilespmem:v8+s15+$0x0], $0xffff  }
0x157: {  	v35 =	vld.idx.msk [tilespmem:v4+s17+$0x0], $0xffff;
	v12 =	vmul.f32 v12, v14;
	v13 =	vadd.f32 v15, v13  }
0x158: {  	v36 =	vor.u32 $0x1D, v2;
	v37 =	vld.idx.msk [tilespmem:v10+s14+$0x0], $0xffff  }
0x159: {  	v38 =	vld.idx.msk [tilespmem:v5+s17+$0x0], $0xffff;
	v9 =	vmul.f32 v27, v28;
	v12 =	vadd.f32 v12, v13  }
0x15a: {  	v2 =	vor.u32 $0x1E, v2;
	v39 =	vld.idx.msk [tilespmem:v11+s14+$0x0], $0xffff  }
0x15b: {  	v40 =	vld.idx.msk [tilespmem:v33+s15+$0x0], $0xffff;
	v8 =	vmul.f32 v34, v32;
	v9 =	vadd.f32 v9, v12  }
0x15c: {  	v17 =	vld.idx.msk [tilespmem:v33+s14+$0x0], $0xffff  }
0x15d: {  	v42 =	vld.idx.msk [tilespmem:v36+s15+$0x0], $0xffff;
	v43 =	vmul.f32 v31, v37;
	v8 =	vadd.f32 v8, v9  }
0x15e: {  	v41 =	vmul.f32 $1.442695020e+00, v30;
	v45 =	vld.idx.msk [tilespmem:v36+s14+$0x0], $0xffff  }
0x15f: {  	v46 =	vld.idx.msk [tilespmem:v2+s15+$0x0], $0xffff;
	v47 =	vmul.f32 v21, v39;
	v8 =	vadd.f32 v43, v8  }
0x160: {  	v44 =	vmul.f32 $1.442695020e+00, v35;
	v2 =	vld.idx.msk [tilespmem:v2+s14+$0x0], $0xffff;
	(erf) = vpow2.f32 v41  }
0x161: {  	v49 =	vmul.f32 v40, v17;
	v8 =	vadd.f32 v47, v8  }
0x162: {  	v7 =	vld.idx.msk [tilespmem:v7+s14+$0x0], $0xffff;
	v48 =	vmul.f32 $1.442695020e+00, v38;
	(erf) = vpow2.f32 v44  }
0x163: {  	v51 =	vmul.f32 v42, v45;
	v8 =	vadd.f32 v49, v8  }
0x164: {  	(erf) = vpow2.f32 v48  }
0x165: {  	v50 =	vld.idx.msk [tilespmem:v1+s17+$0x0], $0xffff;
	v2 =	vmul.f32 v46, v2;
	v8 =	vadd.f32 v51, v8;
	_ =	sdelay $0x1  }
0x166: {  	v6 =	vmul.f32 v6, v7;
	v2 =	vadd.f32 v2, v8;
	_ =	sdelay $0x1  }
0x167: {  	v52 =	vpop (erf);
	v2 =	vadd.f32 v6, v2  }
0x168: {  	v53 =	vadd.f32 v52, v50  }
0x169: {  	v54 =	vpop (erf);
	v57 =	vsub.f32 v2, v50  }
0x16a: {  	v55 =	vadd.f32 v54, v53  }
0x16b: {  	v56 =	vpop (erf);
	v9 =	vmul.f32 $1.442695020e+00, v57  }
0x16c: {  	v8 =	vadd.f32 v56, v55;
	v7 =	vsub.f32 v2, v53  }
0x16d: {  	v6 =	vsub.f32 v2, v55;
	(erf) = vpow2.f32 v9  }
0x16e: {  	v2 =	vsub.f32 v2, v8;
	v7 =	vmul.f32 $1.442695020e+00, v7  }
0x16f: {  	v6 =	vmul.f32 $1.442695020e+00, v6  }
0x170: {  	v2 =	vmul.f32 $1.442695020e+00, v2;
	(erf) = vpow2.f32 v7  }
0x171: {  	(erf) = vpow2.f32 v6  }
0x172: {  	(erf) = vpow2.f32 v2;
	_ =	sdelay $0x3  }
0x173: {  	v2 =	vpop (erf)  }
0x174: {  	v2 =	vadd.f32 $1.000000000e+00, v2;
	_ =	sdelay $0x1  }
0x175: {  	v58 =	vpop (erf)  }
0x176: {  	v6 =	vadd.f32 $1.000000000e+00, v58;
	v59 =	vpop (erf)  }
0x177: {  	v7 =	vadd.f32 $1.000000000e+00, v59;
	(erf) = vrcp.f32 v2;
	v2 =	vpop (erf)  }
0x178: {  	(erf) = vrcp.f32 v6;
	v2 =	vadd.f32 $1.000000000e+00, v2  }
0x179: {  	(erf) = vrcp.f32 v7  }
0x17a: {  	(erf) = vrcp.f32 v2;
	_ =	sdelay $0x5  }
0x17b: {  	v2 =	vpop (erf)  }
0x17c: {  	v6 =	vpop (erf)  }
0x17d: {  	v61 =	vor.u32 $0x4, v1;
	v60 =	vsub.f32 v6, v2;
	v62 =	vpop (erf)  }
0x17e: {  	[tilespmem:v1+s7+$0x0] =	vst.idx.msk $0xffff, v2;
	v1 =	vsub.f32 v62, v6;
	v2 =	vpop (erf)  }
0x17f: {  	[tilespmem:v3+s7+$0x0] =	vst.idx.msk $0xffff, v60;
	v63 =	vsub.f32 v2, v62  }
0x180: {  	s18 =	sadd.s32 $0x1, s18;
	[tilespmem:v4+s7+$0x0] =	vst.idx.msk $0xffff, v1;
	v2 =	vsub.f32 $1.000000000e+00, v2  }
0x181: {  	p0 =	sne.s32 s18, s10;
	[tilespmem:v5+s7+$0x0] =	vst.idx.msk $0xffff, v63  }
.Ltmp1:
0x182: {  	s8 =	rddreg [dreg:$0x5];
	[tilespmem:v61+s7+$0x0] =	vst.idx.msk $0xffff, v2;
	(pc) =	sbr.rel @p0 .LBB2_1-.Ltmp1, $4  }
0x183: {  	[hbm4b:s8+s2] =	stream.linear.scatter [tilespmem:s7], [sflag:$0x2], $0x1000, $0x38;
	[tilespmem:$0x14380] =	vst v63  }
0x184: {  	_ =	swait.ge [sflag:s11], $0x1000  }
0x185: {  	[sflag:s11] =	ssyncset.done $0x0  }
0x186: {  	[sflag:s11] =	ssyncadd.s32 $0xFFFFF000  }
0x187: {  	_ =	sfence.sel $0x180000  }
0x188: {  	[bflag:$0x0] =	sbarrier.arrive $0xFFFF  }
0x189: {  	_ =	strace $0x90000047  }
0x18a: {  	s0 =	stileid.u32;
	[bflag:$0x2] =	sbarrier.arrive $0xFFFF  }
0x18b: {  	p0 =	sne.s32 s0, $0x0;
	s0 =	rddreg [dreg:$0x2]  }
0x18c: {  	s0 =	sadd.s32 @!p0 $0x100000, s0  }
0x18d: {  	[sflag:s0] =	ssyncadd.tile.s32 @!p0 $0x1;
	_ =	shalt  }
.Lfunc_end2:
_tile_overlayer_lowered:
.L_overlay_start_2:
0x18e: {  	(tag) =	ssettag $0x2  }
0x18f: {  	s0 =	rddreg [dreg:$0x0];
	s2 =	stileid.u32  }
0x190: {  	s1 =	rddreg [dreg:$0x1];
	p0 =	sne.s32 s2, $0x0  }
0x191: {  	s3 =	rddreg [dreg:$0x2];
	[bflag:$0x3] =	sbarrier.arrive $0xFFFF;
	s2 =	simm.s32 @!p0 $0x1C02  }
0x192: {  	[timem:s3], [sflag:s2] =	dma.local @!p0 [hbm:s0], s1  }
0x193: {  	s0 =	simm.s32 @!p0 $0x2  }
0x194: {  	_ =	swait.ge @!p0 [sflag:s0], s1  }
0x195: {  	s1 =	ssub.s32 @!p0 $0x0, s1;
	[sflag:s0] =	ssyncset.done @!p0 $0x0  }
0x196: {  	[sflag:s0] =	ssyncadd.s32 @!p0 s1  }
0x197: {  	[bflag:$0x3] =	sbarrier.arrive $0xFFFF  }
0x198: {  	_ =	shalt  }

</sc_bundles>
